<compile_context>
chip_gen: v7x
topology: tpu7x:2x2x1
jax: 0.10.2.dev20260603
libtpu: 0.0.44.dev20260713+nightly
codegen_flags: <defaults>
</compile_context>

<pallas_src>
import functools

import jax
import jax.numpy as jnp
from jax import lax
from jax.experimental import pallas as pl
from jax.experimental.pallas import tpu as pltpu
from jax.experimental.pallas import tpu_sc as plsc

N = 10000
E = 320000
D = 128
L = 16
NC = 2
NS = 16
NW = NC * NS
NPAD = 10240
JUNK = 10232

EA = E // NW
K = 128
CH = 80
E2 = NW * CH * K

_mesh = plsc.VectorSubcoreMesh(
    core_axis_name="c", subcore_axis_name="s", num_cores=NC, num_subcores=NS
)


@functools.partial(
    pl.kernel,
    out_type=jax.ShapeDtypeStruct((NW, NPAD), jnp.float32),
    mesh=_mesh,
    scratch_types=[
        pltpu.VMEM((EA,), jnp.int32),
        pltpu.VMEM((NPAD,), jnp.float32),
    ],
    compiler_params=pltpu.CompilerParams(needs_layout_passes=False),
)
def _deg_kernel(dst_hbm, degp_hbm, dst_v, deg_v):
    cid = lax.axis_index("c")
    sid = lax.axis_index("s")
    wid = cid * NS + sid

    @pl.loop(0, NPAD // L)
    def _zero(i):
        deg_v[pl.ds(i * L, L)] = jnp.zeros((L,), jnp.float32)

    pltpu.sync_copy(dst_hbm.at[wid], dst_v)
    ones = jnp.ones((L,), jnp.float32)

    @pl.loop(0, EA // L)
    def _hist(i):
        idx = dst_v[pl.ds(i * L, L)]
        plsc.addupdate_scatter(deg_v, [idx], ones)

    pltpu.sync_copy(deg_v, degp_hbm.at[wid])


def _mm_body(x_ref, w_ref, degp_ref, hs_ref):
    deg = jnp.sum(degp_ref[...], axis=0) + 1.0
    dinv = 1.0 / jnp.sqrt(deg)
    h = jnp.dot(x_ref[...], w_ref[...], preferred_element_type=jnp.float32)
    hs_ref[...] = h * dinv[:, None]


def _mm_call(x, W, degp):
    BR = 1024
    grid = (pl.cdiv(N, BR),)
    return pl.pallas_call(
        _mm_body,
        grid=grid,
        in_specs=[
            pl.BlockSpec((BR, D), lambda i: (i, 0)),
            pl.BlockSpec((D, D), lambda i: (0, 0)),
            pl.BlockSpec((NW, BR), lambda i: (0, i)),
        ],
        out_specs=pl.BlockSpec((BR, D), lambda i: (i, 0)),
        out_shape=jax.ShapeDtypeStruct((N, D), jnp.float32),
    )(x, W, degp)


@functools.partial(
    pl.kernel,
    out_type=jax.ShapeDtypeStruct((NC, NPAD, D), jnp.float32),
    mesh=_mesh,
    scratch_types=[
        pltpu.VMEM((4, K), jnp.int32),
        pltpu.VMEM((4, K), jnp.int32),
        pltpu.VMEM((K, D), jnp.float32),
        pltpu.VMEM((K, D), jnp.float32),
        pltpu.VMEM((16, D), jnp.float32),
        pltpu.VMEM_SHARED((NPAD, D), jnp.float32),
        pltpu.SemaphoreType.DMA,
        pltpu.SemaphoreType.DMA,
        pltpu.SemaphoreType.DMA,
        pltpu.SemaphoreType.DMA,
        pltpu.SemaphoreType.DMA,
    ],
)
def _edge_kernel(hs_hbm, src_hbm, dst_hbm, s_hbm,
                 srcr, dstr, buf0, buf1, zbuf, agg,
                 gsem0, gsem1, ssem0, ssem1, isem):
    cid = lax.axis_index("c")
    sid = lax.axis_index("s")
    rows = NPAD // NS

    @pl.loop(0, 16)
    def _zrow(i):
        for j in range(D // L):
            zbuf[i, pl.ds(j * L, L)] = jnp.zeros((L,), jnp.float32)

    @pl.loop(0, rows // 16)
    def _zagg(i):
        pltpu.sync_copy(zbuf, agg.at[pl.ds(sid * rows + i * 16, 16)])

    plsc.subcore_barrier()

    wid = cid * NS + sid
    bufs = ((buf0, gsem0, ssem0), (buf1, gsem1, ssem1))
    for q in range(4):
        pltpu.sync_copy(src_hbm.at[wid, q], srcr.at[q])
        pltpu.sync_copy(dst_hbm.at[wid, q], dstr.at[q])
    pltpu.async_copy(hs_hbm.at[srcr.at[0]], buf0, gsem0)
    pltpu.async_copy(hs_hbm.at[srcr.at[1]], buf1, gsem1)

    @pl.loop(0, CH // 2)
    def _main(i):
        for par, (buf, gsem, ssem) in enumerate(bufs):
            c = 2 * i + par
            q = lax.rem(c, 4)
            pltpu.make_async_copy(hs_hbm.at[srcr.at[q]], buf, gsem).wait()
            pltpu.async_copy(buf, agg.at[dstr.at[q]], ssem, add=True)

            @pl.when(c + 2 < CH)
            def _next():
                pltpu.make_async_copy(buf, agg.at[dstr.at[q]], ssem).wait()

                @pl.when(c + 4 < CH)
                def _pf():
                    pltpu.async_copy(src_hbm.at[wid, c + 4], srcr.at[q], isem)
                    pltpu.async_copy(dst_hbm.at[wid, c + 4], dstr.at[q], isem)

                q2 = lax.rem(c + 2, 4)

                @pl.when(c >= 2)
                def _wi():
                    pltpu.make_async_copy(
                        src_hbm.at[wid, c + 2], srcr.at[q2], isem).wait()
                    pltpu.make_async_copy(
                        dst_hbm.at[wid, c + 2], dstr.at[q2], isem).wait()

                pltpu.async_copy(hs_hbm.at[srcr.at[q2]], buf, gsem)

    pltpu.make_async_copy(buf0, agg.at[dstr.at[(CH - 2) % 4]], ssem0).wait()
    pltpu.make_async_copy(buf1, agg.at[dstr.at[(CH - 1) % 4]], ssem1).wait()
    plsc.subcore_barrier()

    pltpu.sync_copy(agg.at[pl.ds(sid * rows, rows)],
                    s_hbm.at[cid, pl.ds(sid * rows, rows)])


def _out_body(s_ref, hs_ref, degp_ref, b_ref, o_ref):
    deg = jnp.sum(degp_ref[...], axis=0) + 1.0
    dinv = 1.0 / jnp.sqrt(deg)
    tot = s_ref[0] + s_ref[1] + hs_ref[...]
    o_ref[...] = jnp.maximum(tot * dinv[:, None] + b_ref[...], 0.0)


def _out_call(S, hs, degp, b):
    BR = 1024
    grid = (pl.cdiv(N, BR),)
    return pl.pallas_call(
        _out_body,
        grid=grid,
        in_specs=[
            pl.BlockSpec((NC, BR, D), lambda i: (0, i, 0)),
            pl.BlockSpec((BR, D), lambda i: (i, 0)),
            pl.BlockSpec((NW, BR), lambda i: (0, i)),
            pl.BlockSpec((1, D), lambda i: (0, 0)),
        ],
        out_specs=pl.BlockSpec((BR, D), lambda i: (i, 0)),
        out_shape=jax.ShapeDtypeStruct((N, D), jnp.float32),
    )(S, hs, degp, b.reshape(1, D))


@jax.jit
def kernel(x, edge_index, W, b):
    src = edge_index[0]
    dst = edge_index[1]

    degp = _deg_kernel(dst.reshape(NW, EA))
    hs = _mm_call(x, W, degp)

    pad = E2 - E
    srcp = jnp.concatenate([src, jnp.zeros((pad,), jnp.int32)]).reshape(NW, CH, K)
    dstp = jnp.concatenate([dst, jnp.full((pad,), JUNK, jnp.int32)]).reshape(NW, CH, K)
    S = _edge_kernel(hs, srcp, dstp)

    return _out_call(S, hs, degp, b)

# --- scband reference (transcript-rebuilt; emitter-appended) ---
"""Pipeline reference for scband-graph-convo-network-6940667150636 (READ-ONLY COPY).

The authoritative reference and input builder live on the scoring server;
editing this copy changes nothing except your own understanding.
"""

import jax, jax.numpy as jnp
import numpy as np

N = 10000
E = 320000
D_IN = 128
D_OUT = 128


def setup_inputs(seed: int = 0) -> dict:
    key = jax.random.key(seed)
    k1, k2, k3, k4 = jax.random.split(key, 4)
    x = jax.random.normal(k1, (N, D_IN), dtype=jnp.float32)
    edge_index = jax.random.randint(k2, (2, E), 0, N, dtype=jnp.int32)
    W = jax.random.normal(k3, (D_IN, D_OUT), dtype=jnp.float32) * (1.0 / np.sqrt(D_IN))
    b = jnp.zeros((D_OUT,), dtype=jnp.float32)
    return {"x": x, "edge_index": edge_index, "W": W, "b": b}


def reference(x, edge_index, W, b):
    # GCNConv layer (torch_geometric semantics): add self-loops, symmetric
    # degree normalization, linear transform, scatter-add aggregation, bias,
    # followed by ReLU activation (per train.layer.data config).
    self_loops = jnp.arange(N, dtype=edge_index.dtype)
    src = jnp.concatenate([edge_index[0], self_loops])
    dst = jnp.concatenate([edge_index[1], self_loops])
    # linear transform first (standard GCNConv order)
    h = x @ W
    # degree of destination nodes (including self-loops)
    deg = jnp.zeros((N,), dtype=jnp.float32).at[dst].add(1.0)
    dinv = jnp.where(deg > 0, 1.0 / jnp.sqrt(deg), 0.0)
    norm = dinv[src] * dinv[dst]
    # gather messages from source nodes, scale, scatter-add to destination
    msg = h[src] * norm[:, None]
    agg = jnp.zeros((N, D_OUT), dtype=jnp.float32).at[dst].add(msg)
    out = agg + b
    return jax.nn.relu(out)

if __name__ == "__main__":
    import jax
    _d = setup_inputs()
    print(jax.jit(kernel)(*tuple(_d.values())))

</pallas_src>

<mosaic_0001>
#map = affine_map<(d0, d1) -> (0, 0)>
module attributes {stable_mosaic.version = 14 : i64} {
  func.func @_deg_kernel(%arg0: i32, %arg1: i32, %arg2: memref<32x10000xi32, #tpu.memory_space<hbm>>, %arg3: memref<32x10240xf32, #tpu.memory_space<hbm>>, %arg4: memref<10000xi32, #tpu.memory_space<vmem>>, %arg5: memref<10240xf32, #tpu.memory_space<vmem>>) attributes {dimension_semantics = [#tpu.dimension_semantics<core_parallel>, #tpu.dimension_semantics<subcore_parallel>], iteration_bounds = array<i64: 2, 16>, scalar_prefetch = 0 : i64, scratch_operands = 2 : i64, tpu.core_type = #tpu.core_type<sc_vector_subcore>, window_params = [{transform_indices = #map}, {transform_indices = #map}]} {
    %mul3A = arith.constant 16 : i32
    %mul3A_0 = arith.muli %arg0, %mul3A : i32
    %add3A = arith.addi %mul3A_0, %arg1 : i32
    %scan3A = arith.constant 0 : i32
    %scan3A_1 = arith.constant 640 : i32
    %scan3A_2 = arith.addi %scan3A, %scan3A_1 : i32
    %scan3A_3 = arith.constant 1 : i32
    scf.for %scan3A_11 = %scan3A to %scan3A_2 step %scan3A_3  : i32 {
      %mul3A_12 = arith.constant 1 : i32
      %mul3A_13 = arith.muli %scan3A_11, %mul3A_12 : i32
      %add3A_14 = arith.constant 0 : i32
      %add3A_15 = arith.addi %add3A_14, %mul3A_13 : i32
      %broadcast_in_dim3A_16 = arith.constant 0.000000e+00 : f32
      %broadcast_in_dim3A_17 = vector.broadcast %broadcast_in_dim3A_16 : f32 to vector<16xf32>
      %mul3A_18 = arith.constant 16 : i32
      %mul3A_19 = arith.muli %add3A_15, %mul3A_18 : i32
      %swap3A = arith.index_cast %mul3A_19 : i32 to index
      %swap3A_20 = tpu.vector_load %arg5[%swap3A] {strides = array<i32>} : memref<10240xf32, #tpu.memory_space<vmem>>, vector<16xf32>,
      tpu.vector_store %arg5[%swap3A], %broadcast_in_dim3A_17 {strides = array<i32>} : memref<10240xf32, #tpu.memory_space<vmem>>, vector<16xf32>,
    }
    %scan3A_4 = arith.constant 640 : i32
    "tpu.region"() ({
      %run_scoped3A = tpu.sem_alloc : memref<!tpu.dma_semaphore, #tpu.memory_space<semaphore_mem>>
      %dma_start3A = arith.constant 0 : i32
      %dma_start3A_11 = tpu.memref_slice %arg2[%add3A, %dma_start3A] : memref<32x10000xi32, #tpu.memory_space<hbm>> -> memref<1x10000xi32, #tpu.memory_space<hbm>>
      %dma_start3A_12 = tpu.memref_squeeze %dma_start3A_11 : memref<1x10000xi32, #tpu.memory_space<hbm>> -> memref<10000xi32, #tpu.memory_space<hbm>>
      %dma_start3A_13 = arith.constant 0 : i32
      %dma_start3A_14 = tpu.memref_slice %arg2[%add3A, %dma_start3A_13] : memref<32x10000xi32, #tpu.memory_space<hbm>> -> memref<1x10000xi32, #tpu.memory_space<hbm>>
      %dma_start3A_15 = tpu.memref_squeeze %dma_start3A_14 : memref<1x10000xi32, #tpu.memory_space<hbm>> -> memref<10000xi32, #tpu.memory_space<hbm>>
      tpu.enqueue_dma source(%dma_start3A_15 : memref<10000xi32, #tpu.memory_space<hbm>>) target(%arg4 : memref<10000xi32, #tpu.memory_space<vmem>>) target_semaphore(%run_scoped3A : memref<!tpu.dma_semaphore, #tpu.memory_space<semaphore_mem>>)
      %dma_wait3A = arith.constant 0 : i32
      %dma_wait3A_16 = tpu.memref_slice %arg2[%add3A, %dma_wait3A] : memref<32x10000xi32, #tpu.memory_space<hbm>> -> memref<1x10000xi32, #tpu.memory_space<hbm>>
      %dma_wait3A_17 = tpu.memref_squeeze %dma_wait3A_16 : memref<1x10000xi32, #tpu.memory_space<hbm>> -> memref<10000xi32, #tpu.memory_space<hbm>>
      %dma_wait3A_18 = arith.constant 0 : i32
      %dma_wait3A_19 = tpu.memref_slice %arg2[%add3A, %dma_wait3A_18] : memref<32x10000xi32, #tpu.memory_space<hbm>> -> memref<1x10000xi32, #tpu.memory_space<hbm>>
      %dma_wait3A_20 = tpu.memref_squeeze %dma_wait3A_19 : memref<1x10000xi32, #tpu.memory_space<hbm>> -> memref<10000xi32, #tpu.memory_space<hbm>>
      tpu.wait_dma2 semaphore(%run_scoped3A : memref<!tpu.dma_semaphore, #tpu.memory_space<semaphore_mem>>) src(%dma_wait3A_20 : memref<10000xi32, #tpu.memory_space<hbm>>) dst(%arg4 : memref<10000xi32, #tpu.memory_space<vmem>>)
      tpu.yield
    }) : () -> ()
    %broadcast_in_dim3A = arith.constant 1.000000e+00 : f32
    %broadcast_in_dim3A_5 = vector.broadcast %broadcast_in_dim3A : f32 to vector<16xf32>
    %scan3A_6 = arith.constant 0 : i32
    %scan3A_7 = arith.constant 625 : i32
    %scan3A_8 = arith.addi %scan3A_6, %scan3A_7 : i32
    %scan3A_9 = arith.constant 1 : i32
    scf.for %scan3A_11 = %scan3A_6 to %scan3A_8 step %scan3A_9  : i32 {
      %mul3A_12 = arith.constant 1 : i32
      %mul3A_13 = arith.muli %scan3A_11, %mul3A_12 : i32
      %add3A_14 = arith.constant 0 : i32
      %add3A_15 = arith.addi %add3A_14, %mul3A_13 : i32
      %mul3A_16 = arith.constant 16 : i32
      %mul3A_17 = arith.muli %add3A_15, %mul3A_16 : i32
      %get3A = arith.index_cast %mul3A_17 : i32 to index
      %get3A_18 = tpu.vector_load %arg4[%get3A] {strides = array<i32>} : memref<10000xi32, #tpu.memory_space<vmem>>, vector<16xi32>,
      tpu.vector_store_idx %arg5[%get3A_18], %broadcast_in_dim3A_5 {add = true} : memref<10240xf32, #tpu.memory_space<vmem>>[vector<16xi32>], vector<16xf32>,
    }
    %scan3A_10 = arith.constant 625 : i32
    "tpu.region"() ({
      %run_scoped3A = tpu.sem_alloc : memref<!tpu.dma_semaphore, #tpu.memory_space<semaphore_mem>>
      %dma_start3A = arith.constant 0 : i32
      %dma_start3A_11 = tpu.memref_slice %arg3[%add3A, %dma_start3A] : memref<32x10240xf32, #tpu.memory_space<hbm>> -> memref<1x10240xf32, #tpu.memory_space<hbm>>
      %dma_start3A_12 = tpu.memref_squeeze %dma_start3A_11 : memref<1x10240xf32, #tpu.memory_space<hbm>> -> memref<10240xf32, #tpu.memory_space<hbm>>
      %dma_start3A_13 = arith.constant 0 : i32
      %dma_start3A_14 = tpu.memref_slice %arg3[%add3A, %dma_start3A_13] : memref<32x10240xf32, #tpu.memory_space<hbm>> -> memref<1x10240xf32, #tpu.memory_space<hbm>>
      %dma_start3A_15 = tpu.memref_squeeze %dma_start3A_14 : memref<1x10240xf32, #tpu.memory_space<hbm>> -> memref<10240xf32, #tpu.memory_space<hbm>>
      tpu.enqueue_dma source(%arg5 : memref<10240xf32, #tpu.memory_space<vmem>>) target(%dma_start3A_15 : memref<10240xf32, #tpu.memory_space<hbm>>) target_semaphore(%run_scoped3A : memref<!tpu.dma_semaphore, #tpu.memory_space<semaphore_mem>>)
      %dma_wait3A = arith.constant 0 : i32
      %dma_wait3A_16 = tpu.memref_slice %arg3[%add3A, %dma_wait3A] : memref<32x10240xf32, #tpu.memory_space<hbm>> -> memref<1x10240xf32, #tpu.memory_space<hbm>>
      %dma_wait3A_17 = tpu.memref_squeeze %dma_wait3A_16 : memref<1x10240xf32, #tpu.memory_space<hbm>> -> memref<10240xf32, #tpu.memory_space<hbm>>
      %dma_wait3A_18 = arith.constant 0 : i32
      %dma_wait3A_19 = tpu.memref_slice %arg3[%add3A, %dma_wait3A_18] : memref<32x10240xf32, #tpu.memory_space<hbm>> -> memref<1x10240xf32, #tpu.memory_space<hbm>>
      %dma_wait3A_20 = tpu.memref_squeeze %dma_wait3A_19 : memref<1x10240xf32, #tpu.memory_space<hbm>> -> memref<10240xf32, #tpu.memory_space<hbm>>
      tpu.wait_dma2 semaphore(%run_scoped3A : memref<!tpu.dma_semaphore, #tpu.memory_space<semaphore_mem>>) src(%arg5 : memref<10240xf32, #tpu.memory_space<vmem>>) dst(%dma_wait3A_20 : memref<10240xf32, #tpu.memory_space<hbm>>)
      tpu.yield
    }) : () -> ()
    return
  }
}

#map = affine_map<(d0, d1) -> (0, 0)>
#map1 = affine_map<(d0, d1) -> (0, 0, 0)>
module attributes {stable_mosaic.version = 14 : i64} {
  func.func @_edge_kernel(%arg0: i32, %arg1: i32, %arg2: memref<10000x128xf32, #tpu.memory_space<hbm>>, %arg3: memref<32x80x128xi32, #tpu.memory_space<hbm>>, %arg4: memref<32x80x128xi32, #tpu.memory_space<hbm>>, %arg5: memref<2x10240x128xf32, #tpu.memory_space<hbm>>, %arg6: memref<4x128xi32, #tpu.memory_space<vmem>>, %arg7: memref<4x128xi32, #tpu.memory_space<vmem>>, %arg8: memref<128x128xf32, #tpu.memory_space<vmem>>, %arg9: memref<128x128xf32, #tpu.memory_space<vmem>>, %arg10: memref<16x128xf32, #tpu.memory_space<vmem>>, %arg11: memref<10240x128xf32, #tpu.memory_space<vmem_shared>>, %arg12: memref<!tpu.dma_semaphore, #tpu.memory_space<semaphore_mem>>, %arg13: memref<!tpu.dma_semaphore, #tpu.memory_space<semaphore_mem>>, %arg14: memref<!tpu.dma_semaphore, #tpu.memory_space<semaphore_mem>>, %arg15: memref<!tpu.dma_semaphore, #tpu.memory_space<semaphore_mem>>, %arg16: memref<!tpu.dma_semaphore, #tpu.memory_space<semaphore_mem>>) attributes {dimension_semantics = [#tpu.dimension_semantics<core_parallel>, #tpu.dimension_semantics<subcore_parallel>], iteration_bounds = array<i64: 2, 16>, scalar_prefetch = 0 : i64, scratch_operands = 11 : i64, tpu.core_type = #tpu.core_type<sc_vector_subcore>, window_params = [{transform_indices = #map}, {transform_indices = #map1}, {transform_indices = #map1}, {transform_indices = #map1}]} {
    %scan3A = arith.constant 0 : i32
    %scan3A_0 = arith.constant 16 : i32
    %scan3A_1 = arith.addi %scan3A, %scan3A_0 : i32
    %scan3A_2 = arith.constant 1 : i32
    scf.for %scan3A_61 = %scan3A to %scan3A_1 step %scan3A_2  : i32 {
      %mul3A_62 = arith.constant 1 : i32
      %mul3A_63 = arith.muli %scan3A_61, %mul3A_62 : i32
      %add3A_64 = arith.constant 0 : i32
      %add3A_65 = arith.addi %add3A_64, %mul3A_63 : i32
      %broadcast_in_dim3A = arith.constant 0.000000e+00 : f32
      %broadcast_in_dim3A_66 = vector.broadcast %broadcast_in_dim3A : f32 to vector<16xf32>
      %swap3A = arith.index_cast %add3A_65 : i32 to index
      %swap3A_67 = arith.constant 0 : index
      %swap3A_68 = tpu.vector_load %arg10[%swap3A, %swap3A_67] {strides = array<i32>} : memref<16x128xf32, #tpu.memory_space<vmem>>, vector<1x16xf32>,
      %swap3A_69 = vector.shape_cast %swap3A_68 : vector<1x16xf32> to vector<16xf32>
      %swap3A_70 = vector.shape_cast %broadcast_in_dim3A_66 : vector<16xf32> to vector<1x16xf32>
      tpu.vector_store %arg10[%swap3A, %swap3A_67], %swap3A_70 {strides = array<i32>} : memref<16x128xf32, #tpu.memory_space<vmem>>, vector<1x16xf32>,
      %broadcast_in_dim3A_71 = arith.constant 0.000000e+00 : f32
      %broadcast_in_dim3A_72 = vector.broadcast %broadcast_in_dim3A_71 : f32 to vector<16xf32>
      %swap3A_73 = arith.index_cast %add3A_65 : i32 to index
      %swap3A_74 = arith.constant 16 : index
      %swap3A_75 = tpu.vector_load %arg10[%swap3A_73, %swap3A_74] {strides = array<i32>} : memref<16x128xf32, #tpu.memory_space<vmem>>, vector<1x16xf32>,
      %swap3A_76 = vector.shape_cast %swap3A_75 : vector<1x16xf32> to vector<16xf32>
      %swap3A_77 = vector.shape_cast %broadcast_in_dim3A_72 : vector<16xf32> to vector<1x16xf32>
      tpu.vector_store %arg10[%swap3A_73, %swap3A_74], %swap3A_77 {strides = array<i32>} : memref<16x128xf32, #tpu.memory_space<vmem>>, vector<1x16xf32>,
      %broadcast_in_dim3A_78 = arith.constant 0.000000e+00 : f32
      %broadcast_in_dim3A_79 = vector.broadcast %broadcast_in_dim3A_78 : f32 to vector<16xf32>
      %swap3A_80 = arith.index_cast %add3A_65 : i32 to index
      %swap3A_81 = arith.constant 32 : index
      %swap3A_82 = tpu.vector_load %arg10[%swap3A_80, %swap3A_81] {strides = array<i32>} : memref<16x128xf32, #tpu.memory_space<vmem>>, vector<1x16xf32>,
      %swap3A_83 = vector.shape_cast %swap3A_82 : vector<1x16xf32> to vector<16xf32>
      %swap3A_84 = vector.shape_cast %broadcast_in_dim3A_79 : vector<16xf32> to vector<1x16xf32>
      tpu.vector_store %arg10[%swap3A_80, %swap3A_81], %swap3A_84 {strides = array<i32>} : memref<16x128xf32, #tpu.memory_space<vmem>>, vector<1x16xf32>,
      %broadcast_in_dim3A_85 = arith.constant 0.000000e+00 : f32
      %broadcast_in_dim3A_86 = vector.broadcast %broadcast_in_dim3A_85 : f32 to vector<16xf32>
      %swap3A_87 = arith.index_cast %add3A_65 : i32 to index
      %swap3A_88 = arith.constant 48 : index
      %swap3A_89 = tpu.vector_load %arg10[%swap3A_87, %swap3A_88] {strides = array<i32>} : memref<16x128xf32, #tpu.memory_space<vmem>>, vector<1x16xf32>,
      %swap3A_90 = vector.shape_cast %swap3A_89 : vector<1x16xf32> to vector<16xf32>
      %swap3A_91 = vector.shape_cast %broadcast_in_dim3A_86 : vector<16xf32> to vector<1x16xf32>
      tpu.vector_store %arg10[%swap3A_87, %swap3A_88], %swap3A_91 {strides = array<i32>} : memref<16x128xf32, #tpu.memory_space<vmem>>, vector<1x16xf32>,
      %broadcast_in_dim3A_92 = arith.constant 0.000000e+00 : f32
      %broadcast_in_dim3A_93 = vector.broadcast %broadcast_in_dim3A_92 : f32 to vector<16xf32>
      %swap3A_94 = arith.index_cast %add3A_65 : i32 to index
      %swap3A_95 = arith.constant 64 : index
      %swap3A_96 = tpu.vector_load %arg10[%swap3A_94, %swap3A_95] {strides = array<i32>} : memref<16x128xf32, #tpu.memory_space<vmem>>, vector<1x16xf32>,
      %swap3A_97 = vector.shape_cast %swap3A_96 : vector<1x16xf32> to vector<16xf32>
      %swap3A_98 = vector.shape_cast %broadcast_in_dim3A_93 : vector<16xf32> to vector<1x16xf32>
      tpu.vector_store %arg10[%swap3A_94, %swap3A_95], %swap3A_98 {strides = array<i32>} : memref<16x128xf32, #tpu.memory_space<vmem>>, vector<1x16xf32>,
      %broadcast_in_dim3A_99 = arith.constant 0.000000e+00 : f32
      %broadcast_in_dim3A_100 = vector.broadcast %broadcast_in_dim3A_99 : f32 to vector<16xf32>
      %swap3A_101 = arith.index_cast %add3A_65 : i32 to index
      %swap3A_102 = arith.constant 80 : index
      %swap3A_103 = tpu.vector_load %arg10[%swap3A_101, %swap3A_102] {strides = array<i32>} : memref<16x128xf32, #tpu.memory_space<vmem>>, vector<1x16xf32>,
      %swap3A_104 = vector.shape_cast %swap3A_103 : vector<1x16xf32> to vector<16xf32>
      %swap3A_105 = vector.shape_cast %broadcast_in_dim3A_100 : vector<16xf32> to vector<1x16xf32>
      tpu.vector_store %arg10[%swap3A_101, %swap3A_102], %swap3A_105 {strides = array<i32>} : memref<16x128xf32, #tpu.memory_space<vmem>>, vector<1x16xf32>,
      %broadcast_in_dim3A_106 = arith.constant 0.000000e+00 : f32
      %broadcast_in_dim3A_107 = vector.broadcast %broadcast_in_dim3A_106 : f32 to vector<16xf32>
      %swap3A_108 = arith.index_cast %add3A_65 : i32 to index
      %swap3A_109 = arith.constant 96 : index
      %swap3A_110 = tpu.vector_load %arg10[%swap3A_108, %swap3A_109] {strides = array<i32>} : memref<16x128xf32, #tpu.memory_space<vmem>>, vector<1x16xf32>,
      %swap3A_111 = vector.shape_cast %swap3A_110 : vector<1x16xf32> to vector<16xf32>
      %swap3A_112 = vector.shape_cast %broadcast_in_dim3A_107 : vector<16xf32> to vector<1x16xf32>
      tpu.vector_store %arg10[%swap3A_108, %swap3A_109], %swap3A_112 {strides = array<i32>} : memref<16x128xf32, #tpu.memory_space<vmem>>, vector<1x16xf32>,
      %broadcast_in_dim3A_113 = arith.constant 0.000000e+00 : f32
      %broadcast_in_dim3A_114 = vector.broadcast %broadcast_in_dim3A_113 : f32 to vector<16xf32>
      %swap3A_115 = arith.index_cast %add3A_65 : i32 to index
      %swap3A_116 = arith.constant 112 : index
      %swap3A_117 = tpu.vector_load %arg10[%swap3A_115, %swap3A_116] {strides = array<i32>} : memref<16x128xf32, #tpu.memory_space<vmem>>, vector<1x16xf32>,
      %swap3A_118 = vector.shape_cast %swap3A_117 : vector<1x16xf32> to vector<16xf32>
      %swap3A_119 = vector.shape_cast %broadcast_in_dim3A_114 : vector<16xf32> to vector<1x16xf32>
      tpu.vector_store %arg10[%swap3A_115, %swap3A_116], %swap3A_119 {strides = array<i32>} : memref<16x128xf32, #tpu.memory_space<vmem>>, vector<1x16xf32>,
    }
    %scan3A_3 = arith.constant 16 : i32
    %scan3A_4 = arith.constant 0 : i32
    %scan3A_5 = arith.constant 40 : i32
    %scan3A_6 = arith.addi %scan3A_4, %scan3A_5 : i32
    %scan3A_7 = arith.constant 1 : i32
    scf.for %scan3A_61 = %scan3A_4 to %scan3A_6 step %scan3A_7  : i32 {
      %mul3A_62 = arith.constant 1 : i32
      %mul3A_63 = arith.muli %scan3A_61, %mul3A_62 : i32
      %add3A_64 = arith.constant 0 : i32
      %add3A_65 = arith.addi %add3A_64, %mul3A_63 : i32
      %mul3A_66 = arith.constant 640 : i32
      %mul3A_67 = arith.muli %arg1, %mul3A_66 : i32
      %mul3A_68 = arith.constant 16 : i32
      %mul3A_69 = arith.muli %add3A_65, %mul3A_68 : i32
      %add3A_70 = arith.addi %mul3A_67, %mul3A_69 : i32
      "tpu.region"() ({
        %run_scoped3A_71 = tpu.sem_alloc : memref<!tpu.dma_semaphore, #tpu.memory_space<semaphore_mem>>
        %dma_start3A_72 = arith.constant 0 : i32
        %dma_start3A_73 = tpu.memref_slice %arg11[%add3A_70, %dma_start3A_72] : memref<10240x128xf32, #tpu.memory_space<vmem_shared>> -> memref<16x128xf32, #tpu.memory_space<vmem_shared>>
        %dma_start3A_74 = arith.constant 0 : i32
        %dma_start3A_75 = tpu.memref_slice %arg11[%add3A_70, %dma_start3A_74] : memref<10240x128xf32, #tpu.memory_space<vmem_shared>> -> memref<16x128xf32, #tpu.memory_space<vmem_shared>>
        tpu.enqueue_dma source(%arg10 : memref<16x128xf32, #tpu.memory_space<vmem>>) target(%dma_start3A_75 : memref<16x128xf32, #tpu.memory_space<vmem_shared>>) target_semaphore(%run_scoped3A_71 : memref<!tpu.dma_semaphore, #tpu.memory_space<semaphore_mem>>)
        %dma_wait3A_76 = arith.constant 0 : i32
        %dma_wait3A_77 = tpu.memref_slice %arg11[%add3A_70, %dma_wait3A_76] : memref<10240x128xf32, #tpu.memory_space<vmem_shared>> -> memref<16x128xf32, #tpu.memory_space<vmem_shared>>
        %dma_wait3A_78 = arith.constant 0 : i32
        %dma_wait3A_79 = tpu.memref_slice %arg11[%add3A_70, %dma_wait3A_78] : memref<10240x128xf32, #tpu.memory_space<vmem_shared>> -> memref<16x128xf32, #tpu.memory_space<vmem_shared>>
        tpu.wait_dma2 semaphore(%run_scoped3A_71 : memref<!tpu.dma_semaphore, #tpu.memory_space<semaphore_mem>>) src(%arg10 : memref<16x128xf32, #tpu.memory_space<vmem>>) dst(%dma_wait3A_79 : memref<16x128xf32, #tpu.memory_space<vmem_shared>>)
        tpu.yield
      }) : () -> ()
    }
    %scan3A_8 = arith.constant 40 : i32
    %barrier3A = arith.constant 0 : index
    tpu.barrier barrier_id(%barrier3A)
    %mul3A = arith.constant 16 : i32
    %mul3A_9 = arith.muli %arg0, %mul3A : i32
    %add3A = arith.addi %mul3A_9, %arg1 : i32
    %run_scoped3A = arith.constant 0 : i32
    %run_scoped3A_10 = arith.constant 0 : i32
    "tpu.region"() ({
      %run_scoped3A_61 = tpu.sem_alloc : memref<!tpu.dma_semaphore, #tpu.memory_space<semaphore_mem>>
      %dma_start3A_62 = arith.constant 0 : i32
      %dma_start3A_63 = tpu.memref_slice %arg6[%run_scoped3A_10, %dma_start3A_62] : memref<4x128xi32, #tpu.memory_space<vmem>> -> memref<1x128xi32, #tpu.memory_space<vmem>>
      %dma_start3A_64 = tpu.memref_squeeze %dma_start3A_63 : memref<1x128xi32, #tpu.memory_space<vmem>> -> memref<128xi32, #tpu.memory_space<vmem>>
      %dma_start3A_65 = arith.constant 0 : i32
      %dma_start3A_66 = tpu.memref_slice %arg3[%add3A, %run_scoped3A, %dma_start3A_65] : memref<32x80x128xi32, #tpu.memory_space<hbm>> -> memref<1x1x128xi32, #tpu.memory_space<hbm>>
      %dma_start3A_67 = tpu.memref_squeeze %dma_start3A_66 : memref<1x1x128xi32, #tpu.memory_space<hbm>> -> memref<128xi32, #tpu.memory_space<hbm>>
      %dma_start3A_68 = arith.constant 0 : i32
      %dma_start3A_69 = tpu.memref_slice %arg6[%run_scoped3A_10, %dma_start3A_68] : memref<4x128xi32, #tpu.memory_space<vmem>> -> memref<1x128xi32, #tpu.memory_space<vmem>>
      %dma_start3A_70 = tpu.memref_squeeze %dma_start3A_69 : memref<1x128xi32, #tpu.memory_space<vmem>> -> memref<128xi32, #tpu.memory_space<vmem>>
      %dma_start3A_71 = arith.constant 0 : i32
      %dma_start3A_72 = tpu.memref_slice %arg3[%add3A, %run_scoped3A, %dma_start3A_71] : memref<32x80x128xi32, #tpu.memory_space<hbm>> -> memref<1x1x128xi32, #tpu.memory_space<hbm>>
      %dma_start3A_73 = tpu.memref_squeeze %dma_start3A_72 : memref<1x1x128xi32, #tpu.memory_space<hbm>> -> memref<128xi32, #tpu.memory_space<hbm>>
      tpu.enqueue_dma source(%dma_start3A_73 : memref<128xi32, #tpu.memory_space<hbm>>) target(%dma_start3A_70 : memref<128xi32, #tpu.memory_space<vmem>>) target_semaphore(%run_scoped3A_61 : memref<!tpu.dma_semaphore, #tpu.memory_space<semaphore_mem>>)
      %dma_wait3A_74 = arith.constant 0 : i32
      %dma_wait3A_75 = tpu.memref_slice %arg6[%run_scoped3A_10, %dma_wait3A_74] : memref<4x128xi32, #tpu.memory_space<vmem>> -> memref<1x128xi32, #tpu.memory_space<vmem>>
      %dma_wait3A_76 = tpu.memref_squeeze %dma_wait3A_75 : memref<1x128xi32, #tpu.memory_space<vmem>> -> memref<128xi32, #tpu.memory_space<vmem>>
      %dma_wait3A_77 = arith.constant 0 : i32
      %dma_wait3A_78 = tpu.memref_slice %arg3[%add3A, %run_scoped3A, %dma_wait3A_77] : memref<32x80x128xi32, #tpu.memory_space<hbm>> -> memref<1x1x128xi32, #tpu.memory_space<hbm>>
      %dma_wait3A_79 = tpu.memref_squeeze %dma_wait3A_78 : memref<1x1x128xi32, #tpu.memory_space<hbm>> -> memref<128xi32, #tpu.memory_space<hbm>>
      %dma_wait3A_80 = arith.constant 0 : i32
      %dma_wait3A_81 = tpu.memref_slice %arg6[%run_scoped3A_10, %dma_wait3A_80] : memref<4x128xi32, #tpu.memory_space<vmem>> -> memref<1x128xi32, #tpu.memory_space<vmem>>
      %dma_wait3A_82 = tpu.memref_squeeze %dma_wait3A_81 : memref<1x128xi32, #tpu.memory_space<vmem>> -> memref<128xi32, #tpu.memory_space<vmem>>
      %dma_wait3A_83 = arith.constant 0 : i32
      %dma_wait3A_84 = tpu.memref_slice %arg3[%add3A, %run_scoped3A, %dma_wait3A_83] : memref<32x80x128xi32, #tpu.memory_space<hbm>> -> memref<1x1x128xi32, #tpu.memory_space<hbm>>
      %dma_wait3A_85 = tpu.memref_squeeze %dma_wait3A_84 : memref<1x1x128xi32, #tpu.memory_space<hbm>> -> memref<128xi32, #tpu.memory_space<hbm>>
      tpu.wait_dma2 semaphore(%run_scoped3A_61 : memref<!tpu.dma_semaphore, #tpu.memory_space<semaphore_mem>>) src(%dma_wait3A_85 : memref<128xi32, #tpu.memory_space<hbm>>) dst(%dma_wait3A_82 : memref<128xi32, #tpu.memory_space<vmem>>)
      tpu.yield
    }) : () -> ()
    %run_scoped3A_11 = arith.constant 0 : i32
    %run_scoped3A_12 = arith.constant 0 : i32
    "tpu.region"() ({
      %run_scoped3A_61 = tpu.sem_alloc : memref<!tpu.dma_semaphore, #tpu.memory_space<semaphore_mem>>
      %dma_start3A_62 = arith.constant 0 : i32
      %dma_start3A_63 = tpu.memref_slice %arg7[%run_scoped3A_12, %dma_start3A_62] : memref<4x128xi32, #tpu.memory_space<vmem>> -> memref<1x128xi32, #tpu.memory_space<vmem>>
      %dma_start3A_64 = tpu.memref_squeeze %dma_start3A_63 : memref<1x128xi32, #tpu.memory_space<vmem>> -> memref<128xi32, #tpu.memory_space<vmem>>
      %dma_start3A_65 = arith.constant 0 : i32
      %dma_start3A_66 = tpu.memref_slice %arg4[%add3A, %run_scoped3A_11, %dma_start3A_65] : memref<32x80x128xi32, #tpu.memory_space<hbm>> -> memref<1x1x128xi32, #tpu.memory_space<hbm>>
      %dma_start3A_67 = tpu.memref_squeeze %dma_start3A_66 : memref<1x1x128xi32, #tpu.memory_space<hbm>> -> memref<128xi32, #tpu.memory_space<hbm>>
      %dma_start3A_68 = arith.constant 0 : i32
      %dma_start3A_69 = tpu.memref_slice %arg7[%run_scoped3A_12, %dma_start3A_68] : memref<4x128xi32, #tpu.memory_space<vmem>> -> memref<1x128xi32, #tpu.memory_space<vmem>>
      %dma_start3A_70 = tpu.memref_squeeze %dma_start3A_69 : memref<1x128xi32, #tpu.memory_space<vmem>> -> memref<128xi32, #tpu.memory_space<vmem>>
      %dma_start3A_71 = arith.constant 0 : i32
      %dma_start3A_72 = tpu.memref_slice %arg4[%add3A, %run_scoped3A_11, %dma_start3A_71] : memref<32x80x128xi32, #tpu.memory_space<hbm>> -> memref<1x1x128xi32, #tpu.memory_space<hbm>>
      %dma_start3A_73 = tpu.memref_squeeze %dma_start3A_72 : memref<1x1x128xi32, #tpu.memory_space<hbm>> -> memref<128xi32, #tpu.memory_space<hbm>>
      tpu.enqueue_dma source(%dma_start3A_73 : memref<128xi32, #tpu.memory_space<hbm>>) target(%dma_start3A_70 : memref<128xi32, #tpu.memory_space<vmem>>) target_semaphore(%run_scoped3A_61 : memref<!tpu.dma_semaphore, #tpu.memory_space<semaphore_mem>>)
      %dma_wait3A_74 = arith.constant 0 : i32
      %dma_wait3A_75 = tpu.memref_slice %arg7[%run_scoped3A_12, %dma_wait3A_74] : memref<4x128xi32, #tpu.memory_space<vmem>> -> memref<1x128xi32, #tpu.memory_space<vmem>>
      %dma_wait3A_76 = tpu.memref_squeeze %dma_wait3A_75 : memref<1x128xi32, #tpu.memory_space<vmem>> -> memref<128xi32, #tpu.memory_space<vmem>>
      %dma_wait3A_77 = arith.constant 0 : i32
      %dma_wait3A_78 = tpu.memref_slice %arg4[%add3A, %run_scoped3A_11, %dma_wait3A_77] : memref<32x80x128xi32, #tpu.memory_space<hbm>> -> memref<1x1x128xi32, #tpu.memory_space<hbm>>
      %dma_wait3A_79 = tpu.memref_squeeze %dma_wait3A_78 : memref<1x1x128xi32, #tpu.memory_space<hbm>> -> memref<128xi32, #tpu.memory_space<hbm>>
      %dma_wait3A_80 = arith.constant 0 : i32
      %dma_wait3A_81 = tpu.memref_slice %arg7[%run_scoped3A_12, %dma_wait3A_80] : memref<4x128xi32, #tpu.memory_space<vmem>> -> memref<1x128xi32, #tpu.memory_space<vmem>>
      %dma_wait3A_82 = tpu.memref_squeeze %dma_wait3A_81 : memref<1x128xi32, #tpu.memory_space<vmem>> -> memref<128xi32, #tpu.memory_space<vmem>>
      %dma_wait3A_83 = arith.constant 0 : i32
      %dma_wait3A_84 = tpu.memref_slice %arg4[%add3A, %run_scoped3A_11, %dma_wait3A_83] : memref<32x80x128xi32, #tpu.memory_space<hbm>> -> memref<1x1x128xi32, #tpu.memory_space<hbm>>
      %dma_wait3A_85 = tpu.memref_squeeze %dma_wait3A_84 : memref<1x1x128xi32, #tpu.memory_space<hbm>> -> memref<128xi32, #tpu.memory_space<hbm>>
      tpu.wait_dma2 semaphore(%run_scoped3A_61 : memref<!tpu.dma_semaphore, #tpu.memory_space<semaphore_mem>>) src(%dma_wait3A_85 : memref<128xi32, #tpu.memory_space<hbm>>) dst(%dma_wait3A_82 : memref<128xi32, #tpu.memory_space<vmem>>)
      tpu.yield
    }) : () -> ()
    %run_scoped3A_13 = arith.constant 1 : i32
    %run_scoped3A_14 = arith.constant 1 : i32
    "tpu.region"() ({
      %run_scoped3A_61 = tpu.sem_alloc : memref<!tpu.dma_semaphore, #tpu.memory_space<semaphore_mem>>
      %dma_start3A_62 = arith.constant 0 : i32
      %dma_start3A_63 = tpu.memref_slice %arg6[%run_scoped3A_14, %dma_start3A_62] : memref<4x128xi32, #tpu.memory_space<vmem>> -> memref<1x128xi32, #tpu.memory_space<vmem>>
      %dma_start3A_64 = tpu.memref_squeeze %dma_start3A_63 : memref<1x128xi32, #tpu.memory_space<vmem>> -> memref<128xi32, #tpu.memory_space<vmem>>
      %dma_start3A_65 = arith.constant 0 : i32
      %dma_start3A_66 = tpu.memref_slice %arg3[%add3A, %run_scoped3A_13, %dma_start3A_65] : memref<32x80x128xi32, #tpu.memory_space<hbm>> -> memref<1x1x128xi32, #tpu.memory_space<hbm>>
      %dma_start3A_67 = tpu.memref_squeeze %dma_start3A_66 : memref<1x1x128xi32, #tpu.memory_space<hbm>> -> memref<128xi32, #tpu.memory_space<hbm>>
      %dma_start3A_68 = arith.constant 0 : i32
      %dma_start3A_69 = tpu.memref_slice %arg6[%run_scoped3A_14, %dma_start3A_68] : memref<4x128xi32, #tpu.memory_space<vmem>> -> memref<1x128xi32, #tpu.memory_space<vmem>>
      %dma_start3A_70 = tpu.memref_squeeze %dma_start3A_69 : memref<1x128xi32, #tpu.memory_space<vmem>> -> memref<128xi32, #tpu.memory_space<vmem>>
      %dma_start3A_71 = arith.constant 0 : i32
      %dma_start3A_72 = tpu.memref_slice %arg3[%add3A, %run_scoped3A_13, %dma_start3A_71] : memref<32x80x128xi32, #tpu.memory_space<hbm>> -> memref<1x1x128xi32, #tpu.memory_space<hbm>>
      %dma_start3A_73 = tpu.memref_squeeze %dma_start3A_72 : memref<1x1x128xi32, #tpu.memory_space<hbm>> -> memref<128xi32, #tpu.memory_space<hbm>>
      tpu.enqueue_dma source(%dma_start3A_73 : memref<128xi32, #tpu.memory_space<hbm>>) target(%dma_start3A_70 : memref<128xi32, #tpu.memory_space<vmem>>) target_semaphore(%run_scoped3A_61 : memref<!tpu.dma_semaphore, #tpu.memory_space<semaphore_mem>>)
      %dma_wait3A_74 = arith.constant 0 : i32
      %dma_wait3A_75 = tpu.memref_slice %arg6[%run_scoped3A_14, %dma_wait3A_74] : memref<4x128xi32, #tpu.memory_space<vmem>> -> memref<1x128xi32, #tpu.memory_space<vmem>>
      %dma_wait3A_76 = tpu.memref_squeeze %dma_wait3A_75 : memref<1x128xi32, #tpu.memory_space<vmem>> -> memref<128xi32, #tpu.memory_space<vmem>>
      %dma_wait3A_77 = arith.constant 0 : i32
      %dma_wait3A_78 = tpu.memref_slice %arg3[%add3A, %run_scoped3A_13, %dma_wait3A_77] : memref<32x80x128xi32, #tpu.memory_space<hbm>> -> memref<1x1x128xi32, #tpu.memory_space<hbm>>
      %dma_wait3A_79 = tpu.memref_squeeze %dma_wait3A_78 : memref<1x1x128xi32, #tpu.memory_space<hbm>> -> memref<128xi32, #tpu.memory_space<hbm>>
      %dma_wait3A_80 = arith.constant 0 : i32
      %dma_wait3A_81 = tpu.memref_slice %arg6[%run_scoped3A_14, %dma_wait3A_80] : memref<4x128xi32, #tpu.memory_space<vmem>> -> memref<1x128xi32, #tpu.memory_space<vmem>>
      %dma_wait3A_82 = tpu.memref_squeeze %dma_wait3A_81 : memref<1x128xi32, #tpu.memory_space<vmem>> -> memref<128xi32, #tpu.memory_space<vmem>>
      %dma_wait3A_83 = arith.constant 0 : i32
      %dma_wait3A_84 = tpu.memref_slice %arg3[%add3A, %run_scoped3A_13, %dma_wait3A_83] : memref<32x80x128xi32, #tpu.memory_space<hbm>> -> memref<1x1x128xi32, #tpu.memory_space<hbm>>
      %dma_wait3A_85 = tpu.memref_squeeze %dma_wait3A_84 : memref<1x1x128xi32, #tpu.memory_space<hbm>> -> memref<128xi32, #tpu.memory_space<hbm>>
      tpu.wait_dma2 semaphore(%run_scoped3A_61 : memref<!tpu.dma_semaphore, #tpu.memory_space<semaphore_mem>>) src(%dma_wait3A_85 : memref<128xi32, #tpu.memory_space<hbm>>) dst(%dma_wait3A_82 : memref<128xi32, #tpu.memory_space<vmem>>)
      tpu.yield
    }) : () -> ()
    %run_scoped3A_15 = arith.constant 1 : i32
    %run_scoped3A_16 = arith.constant 1 : i32
    "tpu.region"() ({
      %run_scoped3A_61 = tpu.sem_alloc : memref<!tpu.dma_semaphore, #tpu.memory_space<semaphore_mem>>
      %dma_start3A_62 = arith.constant 0 : i32
      %dma_start3A_63 = tpu.memref_slice %arg7[%run_scoped3A_16, %dma_start3A_62] : memref<4x128xi32, #tpu.memory_space<vmem>> -> memref<1x128xi32, #tpu.memory_space<vmem>>
      %dma_start3A_64 = tpu.memref_squeeze %dma_start3A_63 : memref<1x128xi32, #tpu.memory_space<vmem>> -> memref<128xi32, #tpu.memory_space<vmem>>
      %dma_start3A_65 = arith.constant 0 : i32
      %dma_start3A_66 = tpu.memref_slice %arg4[%add3A, %run_scoped3A_15, %dma_start3A_65] : memref<32x80x128xi32, #tpu.memory_space<hbm>> -> memref<1x1x128xi32, #tpu.memory_space<hbm>>
      %dma_start3A_67 = tpu.memref_squeeze %dma_start3A_66 : memref<1x1x128xi32, #tpu.memory_space<hbm>> -> memref<128xi32, #tpu.memory_space<hbm>>
      %dma_start3A_68 = arith.constant 0 : i32
      %dma_start3A_69 = tpu.memref_slice %arg7[%run_scoped3A_16, %dma_start3A_68] : memref<4x128xi32, #tpu.memory_space<vmem>> -> memref<1x128xi32, #tpu.memory_space<vmem>>
      %dma_start3A_70 = tpu.memref_squeeze %dma_start3A_69 : memref<1x128xi32, #tpu.memory_space<vmem>> -> memref<128xi32, #tpu.memory_space<vmem>>
      %dma_start3A_71 = arith.constant 0 : i32
      %dma_start3A_72 = tpu.memref_slice %arg4[%add3A, %run_scoped3A_15, %dma_start3A_71] : memref<32x80x128xi32, #tpu.memory_space<hbm>> -> memref<1x1x128xi32, #tpu.memory_space<hbm>>
      %dma_start3A_73 = tpu.memref_squeeze %dma_start3A_72 : memref<1x1x128xi32, #tpu.memory_space<hbm>> -> memref<128xi32, #tpu.memory_space<hbm>>
      tpu.enqueue_dma source(%dma_start3A_73 : memref<128xi32, #tpu.memory_space<hbm>>) target(%dma_start3A_70 : memref<128xi32, #tpu.memory_space<vmem>>) target_semaphore(%run_scoped3A_61 : memref<!tpu.dma_semaphore, #tpu.memory_space<semaphore_mem>>)
      %dma_wait3A_74 = arith.constant 0 : i32
      %dma_wait3A_75 = tpu.memref_slice %arg7[%run_scoped3A_16, %dma_wait3A_74] : memref<4x128xi32, #tpu.memory_space<vmem>> -> memref<1x128xi32, #tpu.memory_space<vmem>>
      %dma_wait3A_76 = tpu.memref_squeeze %dma_wait3A_75 : memref<1x128xi32, #tpu.memory_space<vmem>> -> memref<128xi32, #tpu.memory_space<vmem>>
      %dma_wait3A_77 = arith.constant 0 : i32
      %dma_wait3A_78 = tpu.memref_slice %arg4[%add3A, %run_scoped3A_15, %dma_wait3A_77] : memref<32x80x128xi32, #tpu.memory_space<hbm>> -> memref<1x1x128xi32, #tpu.memory_space<hbm>>
      %dma_wait3A_79 = tpu.memref_squeeze %dma_wait3A_78 : memref<1x1x128xi32, #tpu.memory_space<hbm>> -> memref<128xi32, #tpu.memory_space<hbm>>
      %dma_wait3A_80 = arith.constant 0 : i32
      %dma_wait3A_81 = tpu.memref_slice %arg7[%run_scoped3A_16, %dma_wait3A_80] : memref<4x128xi32, #tpu.memory_space<vmem>> -> memref<1x128xi32, #tpu.memory_space<vmem>>
      %dma_wait3A_82 = tpu.memref_squeeze %dma_wait3A_81 : memref<1x128xi32, #tpu.memory_space<vmem>> -> memref<128xi32, #tpu.memory_space<vmem>>
      %dma_wait3A_83 = arith.constant 0 : i32
      %dma_wait3A_84 = tpu.memref_slice %arg4[%add3A, %run_scoped3A_15, %dma_wait3A_83] : memref<32x80x128xi32, #tpu.memory_space<hbm>> -> memref<1x1x128xi32, #tpu.memory_space<hbm>>
      %dma_wait3A_85 = tpu.memref_squeeze %dma_wait3A_84 : memref<1x1x128xi32, #tpu.memory_space<hbm>> -> memref<128xi32, #tpu.memory_space<hbm>>
      tpu.wait_dma2 semaphore(%run_scoped3A_61 : memref<!tpu.dma_semaphore, #tpu.memory_space<semaphore_mem>>) src(%dma_wait3A_85 : memref<128xi32, #tpu.memory_space<hbm>>) dst(%dma_wait3A_82 : memref<128xi32, #tpu.memory_space<vmem>>)
      tpu.yield
    }) : () -> ()
    %run_scoped3A_17 = arith.constant 2 : i32
    %run_scoped3A_18 = arith.constant 2 : i32
    "tpu.region"() ({
      %run_scoped3A_61 = tpu.sem_alloc : memref<!tpu.dma_semaphore, #tpu.memory_space<semaphore_mem>>
      %dma_start3A_62 = arith.constant 0 : i32
      %dma_start3A_63 = tpu.memref_slice %arg6[%run_scoped3A_18, %dma_start3A_62] : memref<4x128xi32, #tpu.memory_space<vmem>> -> memref<1x128xi32, #tpu.memory_space<vmem>>
      %dma_start3A_64 = tpu.memref_squeeze %dma_start3A_63 : memref<1x128xi32, #tpu.memory_space<vmem>> -> memref<128xi32, #tpu.memory_space<vmem>>
      %dma_start3A_65 = arith.constant 0 : i32
      %dma_start3A_66 = tpu.memref_slice %arg3[%add3A, %run_scoped3A_17, %dma_start3A_65] : memref<32x80x128xi32, #tpu.memory_space<hbm>> -> memref<1x1x128xi32, #tpu.memory_space<hbm>>
      %dma_start3A_67 = tpu.memref_squeeze %dma_start3A_66 : memref<1x1x128xi32, #tpu.memory_space<hbm>> -> memref<128xi32, #tpu.memory_space<hbm>>
      %dma_start3A_68 = arith.constant 0 : i32
      %dma_start3A_69 = tpu.memref_slice %arg6[%run_scoped3A_18, %dma_start3A_68] : memref<4x128xi32, #tpu.memory_space<vmem>> -> memref<1x128xi32, #tpu.memory_space<vmem>>
      %dma_start3A_70 = tpu.memref_squeeze %dma_start3A_69 : memref<1x128xi32, #tpu.memory_space<vmem>> -> memref<128xi32, #tpu.memory_space<vmem>>
      %dma_start3A_71 = arith.constant 0 : i32
      %dma_start3A_72 = tpu.memref_slice %arg3[%add3A, %run_scoped3A_17, %dma_start3A_71] : memref<32x80x128xi32, #tpu.memory_space<hbm>> -> memref<1x1x128xi32, #tpu.memory_space<hbm>>
      %dma_start3A_73 = tpu.memref_squeeze %dma_start3A_72 : memref<1x1x128xi32, #tpu.memory_space<hbm>> -> memref<128xi32, #tpu.memory_space<hbm>>
      tpu.enqueue_dma source(%dma_start3A_73 : memref<128xi32, #tpu.memory_space<hbm>>) target(%dma_start3A_70 : memref<128xi32, #tpu.memory_space<vmem>>) target_semaphore(%run_scoped3A_61 : memref<!tpu.dma_semaphore, #tpu.memory_space<semaphore_mem>>)
      %dma_wait3A_74 = arith.constant 0 : i32
      %dma_wait3A_75 = tpu.memref_slice %arg6[%run_scoped3A_18, %dma_wait3A_74] : memref<4x128xi32, #tpu.memory_space<vmem>> -> memref<1x128xi32, #tpu.memory_space<vmem>>
      %dma_wait3A_76 = tpu.memref_squeeze %dma_wait3A_75 : memref<1x128xi32, #tpu.memory_space<vmem>> -> memref<128xi32, #tpu.memory_space<vmem>>
      %dma_wait3A_77 = arith.constant 0 : i32
      %dma_wait3A_78 = tpu.memref_slice %arg3[%add3A, %run_scoped3A_17, %dma_wait3A_77] : memref<32x80x128xi32, #tpu.memory_space<hbm>> -> memref<1x1x128xi32, #tpu.memory_space<hbm>>
      %dma_wait3A_79 = tpu.memref_squeeze %dma_wait3A_78 : memref<1x1x128xi32, #tpu.memory_space<hbm>> -> memref<128xi32, #tpu.memory_space<hbm>>
      %dma_wait3A_80 = arith.constant 0 : i32
      %dma_wait3A_81 = tpu.memref_slice %arg6[%run_scoped3A_18, %dma_wait3A_80] : memref<4x128xi32, #tpu.memory_space<vmem>> -> memref<1x128xi32, #tpu.memory_space<vmem>>
      %dma_wait3A_82 = tpu.memref_squeeze %dma_wait3A_81 : memref<1x128xi32, #tpu.memory_space<vmem>> -> memref<128xi32, #tpu.memory_space<vmem>>
      %dma_wait3A_83 = arith.constant 0 : i32
      %dma_wait3A_84 = tpu.memref_slice %arg3[%add3A, %run_scoped3A_17, %dma_wait3A_83] : memref<32x80x128xi32, #tpu.memory_space<hbm>> -> memref<1x1x128xi32, #tpu.memory_space<hbm>>
      %dma_wait3A_85 = tpu.memref_squeeze %dma_wait3A_84 : memref<1x1x128xi32, #tpu.memory_space<hbm>> -> memref<128xi32, #tpu.memory_space<hbm>>
      tpu.wait_dma2 semaphore(%run_scoped3A_61 : memref<!tpu.dma_semaphore, #tpu.memory_space<semaphore_mem>>) src(%dma_wait3A_85 : memref<128xi32, #tpu.memory_space<hbm>>) dst(%dma_wait3A_82 : memref<128xi32, #tpu.memory_space<vmem>>)
      tpu.yield
    }) : () -> ()
    %run_scoped3A_19 = arith.constant 2 : i32
    %run_scoped3A_20 = arith.constant 2 : i32
    "tpu.region"() ({
      %run_scoped3A_61 = tpu.sem_alloc : memref<!tpu.dma_semaphore, #tpu.memory_space<semaphore_mem>>
      %dma_start3A_62 = arith.constant 0 : i32
      %dma_start3A_63 = tpu.memref_slice %arg7[%run_scoped3A_20, %dma_start3A_62] : memref<4x128xi32, #tpu.memory_space<vmem>> -> memref<1x128xi32, #tpu.memory_space<vmem>>
      %dma_start3A_64 = tpu.memref_squeeze %dma_start3A_63 : memref<1x128xi32, #tpu.memory_space<vmem>> -> memref<128xi32, #tpu.memory_space<vmem>>
      %dma_start3A_65 = arith.constant 0 : i32
      %dma_start3A_66 = tpu.memref_slice %arg4[%add3A, %run_scoped3A_19, %dma_start3A_65] : memref<32x80x128xi32, #tpu.memory_space<hbm>> -> memref<1x1x128xi32, #tpu.memory_space<hbm>>
      %dma_start3A_67 = tpu.memref_squeeze %dma_start3A_66 : memref<1x1x128xi32, #tpu.memory_space<hbm>> -> memref<128xi32, #tpu.memory_space<hbm>>
      %dma_start3A_68 = arith.constant 0 : i32
      %dma_start3A_69 = tpu.memref_slice %arg7[%run_scoped3A_20, %dma_start3A_68] : memref<4x128xi32, #tpu.memory_space<vmem>> -> memref<1x128xi32, #tpu.memory_space<vmem>>
      %dma_start3A_70 = tpu.memref_squeeze %dma_start3A_69 : memref<1x128xi32, #tpu.memory_space<vmem>> -> memref<128xi32, #tpu.memory_space<vmem>>
      %dma_start3A_71 = arith.constant 0 : i32
      %dma_start3A_72 = tpu.memref_slice %arg4[%add3A, %run_scoped3A_19, %dma_start3A_71] : memref<32x80x128xi32, #tpu.memory_space<hbm>> -> memref<1x1x128xi32, #tpu.memory_space<hbm>>
      %dma_start3A_73 = tpu.memref_squeeze %dma_start3A_72 : memref<1x1x128xi32, #tpu.memory_space<hbm>> -> memref<128xi32, #tpu.memory_space<hbm>>
      tpu.enqueue_dma source(%dma_start3A_73 : memref<128xi32, #tpu.memory_space<hbm>>) target(%dma_start3A_70 : memref<128xi32, #tpu.memory_space<vmem>>) target_semaphore(%run_scoped3A_61 : memref<!tpu.dma_semaphore, #tpu.memory_space<semaphore_mem>>)
      %dma_wait3A_74 = arith.constant 0 : i32
      %dma_wait3A_75 = tpu.memref_slice %arg7[%run_scoped3A_20, %dma_wait3A_74] : memref<4x128xi32, #tpu.memory_space<vmem>> -> memref<1x128xi32, #tpu.memory_space<vmem>>
      %dma_wait3A_76 = tpu.memref_squeeze %dma_wait3A_75 : memref<1x128xi32, #tpu.memory_space<vmem>> -> memref<128xi32, #tpu.memory_space<vmem>>
      %dma_wait3A_77 = arith.constant 0 : i32
      %dma_wait3A_78 = tpu.memref_slice %arg4[%add3A, %run_scoped3A_19, %dma_wait3A_77] : memref<32x80x128xi32, #tpu.memory_space<hbm>> -> memref<1x1x128xi32, #tpu.memory_space<hbm>>
      %dma_wait3A_79 = tpu.memref_squeeze %dma_wait3A_78 : memref<1x1x128xi32, #tpu.memory_space<hbm>> -> memref<128xi32, #tpu.memory_space<hbm>>
      %dma_wait3A_80 = arith.constant 0 : i32
      %dma_wait3A_81 = tpu.memref_slice %arg7[%run_scoped3A_20, %dma_wait3A_80] : memref<4x128xi32, #tpu.memory_space<vmem>> -> memref<1x128xi32, #tpu.memory_space<vmem>>
      %dma_wait3A_82 = tpu.memref_squeeze %dma_wait3A_81 : memref<1x128xi32, #tpu.memory_space<vmem>> -> memref<128xi32, #tpu.memory_space<vmem>>
      %dma_wait3A_83 = arith.constant 0 : i32
      %dma_wait3A_84 = tpu.memref_slice %arg4[%add3A, %run_scoped3A_19, %dma_wait3A_83] : memref<32x80x128xi32, #tpu.memory_space<hbm>> -> memref<1x1x128xi32, #tpu.memory_space<hbm>>
      %dma_wait3A_85 = tpu.memref_squeeze %dma_wait3A_84 : memref<1x1x128xi32, #tpu.memory_space<hbm>> -> memref<128xi32, #tpu.memory_space<hbm>>
      tpu.wait_dma2 semaphore(%run_scoped3A_61 : memref<!tpu.dma_semaphore, #tpu.memory_space<semaphore_mem>>) src(%dma_wait3A_85 : memref<128xi32, #tpu.memory_space<hbm>>) dst(%dma_wait3A_82 : memref<128xi32, #tpu.memory_space<vmem>>)
      tpu.yield
    }) : () -> ()
    %run_scoped3A_21 = arith.constant 3 : i32
    %run_scoped3A_22 = arith.constant 3 : i32
    "tpu.region"() ({
      %run_scoped3A_61 = tpu.sem_alloc : memref<!tpu.dma_semaphore, #tpu.memory_space<semaphore_mem>>
      %dma_start3A_62 = arith.constant 0 : i32
      %dma_start3A_63 = tpu.memref_slice %arg6[%run_scoped3A_22, %dma_start3A_62] : memref<4x128xi32, #tpu.memory_space<vmem>> -> memref<1x128xi32, #tpu.memory_space<vmem>>
      %dma_start3A_64 = tpu.memref_squeeze %dma_start3A_63 : memref<1x128xi32, #tpu.memory_space<vmem>> -> memref<128xi32, #tpu.memory_space<vmem>>
      %dma_start3A_65 = arith.constant 0 : i32
      %dma_start3A_66 = tpu.memref_slice %arg3[%add3A, %run_scoped3A_21, %dma_start3A_65] : memref<32x80x128xi32, #tpu.memory_space<hbm>> -> memref<1x1x128xi32, #tpu.memory_space<hbm>>
      %dma_start3A_67 = tpu.memref_squeeze %dma_start3A_66 : memref<1x1x128xi32, #tpu.memory_space<hbm>> -> memref<128xi32, #tpu.memory_space<hbm>>
      %dma_start3A_68 = arith.constant 0 : i32
      %dma_start3A_69 = tpu.memref_slice %arg6[%run_scoped3A_22, %dma_start3A_68] : memref<4x128xi32, #tpu.memory_space<vmem>> -> memref<1x128xi32, #tpu.memory_space<vmem>>
      %dma_start3A_70 = tpu.memref_squeeze %dma_start3A_69 : memref<1x128xi32, #tpu.memory_space<vmem>> -> memref<128xi32, #tpu.memory_space<vmem>>
      %dma_start3A_71 = arith.constant 0 : i32
      %dma_start3A_72 = tpu.memref_slice %arg3[%add3A, %run_scoped3A_21, %dma_start3A_71] : memref<32x80x128xi32, #tpu.memory_space<hbm>> -> memref<1x1x128xi32, #tpu.memory_space<hbm>>
      %dma_start3A_73 = tpu.memref_squeeze %dma_start3A_72 : memref<1x1x128xi32, #tpu.memory_space<hbm>> -> memref<128xi32, #tpu.memory_space<hbm>>
      tpu.enqueue_dma source(%dma_start3A_73 : memref<128xi32, #tpu.memory_space<hbm>>) target(%dma_start3A_70 : memref<128xi32, #tpu.memory_space<vmem>>) target_semaphore(%run_scoped3A_61 : memref<!tpu.dma_semaphore, #tpu.memory_space<semaphore_mem>>)
      %dma_wait3A_74 = arith.constant 0 : i32
      %dma_wait3A_75 = tpu.memref_slice %arg6[%run_scoped3A_22, %dma_wait3A_74] : memref<4x128xi32, #tpu.memory_space<vmem>> -> memref<1x128xi32, #tpu.memory_space<vmem>>
      %dma_wait3A_76 = tpu.memref_squeeze %dma_wait3A_75 : memref<1x128xi32, #tpu.memory_space<vmem>> -> memref<128xi32, #tpu.memory_space<vmem>>
      %dma_wait3A_77 = arith.constant 0 : i32
      %dma_wait3A_78 = tpu.memref_slice %arg3[%add3A, %run_scoped3A_21, %dma_wait3A_77] : memref<32x80x128xi32, #tpu.memory_space<hbm>> -> memref<1x1x128xi32, #tpu.memory_space<hbm>>
      %dma_wait3A_79 = tpu.memref_squeeze %dma_wait3A_78 : memref<1x1x128xi32, #tpu.memory_space<hbm>> -> memref<128xi32, #tpu.memory_space<hbm>>
      %dma_wait3A_80 = arith.constant 0 : i32
      %dma_wait3A_81 = tpu.memref_slice %arg6[%run_scoped3A_22, %dma_wait3A_80] : memref<4x128xi32, #tpu.memory_space<vmem>> -> memref<1x128xi32, #tpu.memory_space<vmem>>
      %dma_wait3A_82 = tpu.memref_squeeze %dma_wait3A_81 : memref<1x128xi32, #tpu.memory_space<vmem>> -> memref<128xi32, #tpu.memory_space<vmem>>
      %dma_wait3A_83 = arith.constant 0 : i32
      %dma_wait3A_84 = tpu.memref_slice %arg3[%add3A, %run_scoped3A_21, %dma_wait3A_83] : memref<32x80x128xi32, #tpu.memory_space<hbm>> -> memref<1x1x128xi32, #tpu.memory_space<hbm>>
      %dma_wait3A_85 = tpu.memref_squeeze %dma_wait3A_84 : memref<1x1x128xi32, #tpu.memory_space<hbm>> -> memref<128xi32, #tpu.memory_space<hbm>>
      tpu.wait_dma2 semaphore(%run_scoped3A_61 : memref<!tpu.dma_semaphore, #tpu.memory_space<semaphore_mem>>) src(%dma_wait3A_85 : memref<128xi32, #tpu.memory_space<hbm>>) dst(%dma_wait3A_82 : memref<128xi32, #tpu.memory_space<vmem>>)
      tpu.yield
    }) : () -> ()
    %run_scoped3A_23 = arith.constant 3 : i32
    %run_scoped3A_24 = arith.constant 3 : i32
    "tpu.region"() ({
      %run_scoped3A_61 = tpu.sem_alloc : memref<!tpu.dma_semaphore, #tpu.memory_space<semaphore_mem>>
      %dma_start3A_62 = arith.constant 0 : i32
      %dma_start3A_63 = tpu.memref_slice %arg7[%run_scoped3A_24, %dma_start3A_62] : memref<4x128xi32, #tpu.memory_space<vmem>> -> memref<1x128xi32, #tpu.memory_space<vmem>>
      %dma_start3A_64 = tpu.memref_squeeze %dma_start3A_63 : memref<1x128xi32, #tpu.memory_space<vmem>> -> memref<128xi32, #tpu.memory_space<vmem>>
      %dma_start3A_65 = arith.constant 0 : i32
      %dma_start3A_66 = tpu.memref_slice %arg4[%add3A, %run_scoped3A_23, %dma_start3A_65] : memref<32x80x128xi32, #tpu.memory_space<hbm>> -> memref<1x1x128xi32, #tpu.memory_space<hbm>>
      %dma_start3A_67 = tpu.memref_squeeze %dma_start3A_66 : memref<1x1x128xi32, #tpu.memory_space<hbm>> -> memref<128xi32, #tpu.memory_space<hbm>>
      %dma_start3A_68 = arith.constant 0 : i32
      %dma_start3A_69 = tpu.memref_slice %arg7[%run_scoped3A_24, %dma_start3A_68] : memref<4x128xi32, #tpu.memory_space<vmem>> -> memref<1x128xi32, #tpu.memory_space<vmem>>
      %dma_start3A_70 = tpu.memref_squeeze %dma_start3A_69 : memref<1x128xi32, #tpu.memory_space<vmem>> -> memref<128xi32, #tpu.memory_space<vmem>>
      %dma_start3A_71 = arith.constant 0 : i32
      %dma_start3A_72 = tpu.memref_slice %arg4[%add3A, %run_scoped3A_23, %dma_start3A_71] : memref<32x80x128xi32, #tpu.memory_space<hbm>> -> memref<1x1x128xi32, #tpu.memory_space<hbm>>
      %dma_start3A_73 = tpu.memref_squeeze %dma_start3A_72 : memref<1x1x128xi32, #tpu.memory_space<hbm>> -> memref<128xi32, #tpu.memory_space<hbm>>
      tpu.enqueue_dma source(%dma_start3A_73 : memref<128xi32, #tpu.memory_space<hbm>>) target(%dma_start3A_70 : memref<128xi32, #tpu.memory_space<vmem>>) target_semaphore(%run_scoped3A_61 : memref<!tpu.dma_semaphore, #tpu.memory_space<semaphore_mem>>)
      %dma_wait3A_74 = arith.constant 0 : i32
      %dma_wait3A_75 = tpu.memref_slice %arg7[%run_scoped3A_24, %dma_wait3A_74] : memref<4x128xi32, #tpu.memory_space<vmem>> -> memref<1x128xi32, #tpu.memory_space<vmem>>
      %dma_wait3A_76 = tpu.memref_squeeze %dma_wait3A_75 : memref<1x128xi32, #tpu.memory_space<vmem>> -> memref<128xi32, #tpu.memory_space<vmem>>
      %dma_wait3A_77 = arith.constant 0 : i32
      %dma_wait3A_78 = tpu.memref_slice %arg4[%add3A, %run_scoped3A_23, %dma_wait3A_77] : memref<32x80x128xi32, #tpu.memory_space<hbm>> -> memref<1x1x128xi32, #tpu.memory_space<hbm>>
      %dma_wait3A_79 = tpu.memref_squeeze %dma_wait3A_78 : memref<1x1x128xi32, #tpu.memory_space<hbm>> -> memref<128xi32, #tpu.memory_space<hbm>>
      %dma_wait3A_80 = arith.constant 0 : i32
      %dma_wait3A_81 = tpu.memref_slice %arg7[%run_scoped3A_24, %dma_wait3A_80] : memref<4x128xi32, #tpu.memory_space<vmem>> -> memref<1x128xi32, #tpu.memory_space<vmem>>
      %dma_wait3A_82 = tpu.memref_squeeze %dma_wait3A_81 : memref<1x128xi32, #tpu.memory_space<vmem>> -> memref<128xi32, #tpu.memory_space<vmem>>
      %dma_wait3A_83 = arith.constant 0 : i32
      %dma_wait3A_84 = tpu.memref_slice %arg4[%add3A, %run_scoped3A_23, %dma_wait3A_83] : memref<32x80x128xi32, #tpu.memory_space<hbm>> -> memref<1x1x128xi32, #tpu.memory_space<hbm>>
      %dma_wait3A_85 = tpu.memref_squeeze %dma_wait3A_84 : memref<1x1x128xi32, #tpu.memory_space<hbm>> -> memref<128xi32, #tpu.memory_space<hbm>>
      tpu.wait_dma2 semaphore(%run_scoped3A_61 : memref<!tpu.dma_semaphore, #tpu.memory_space<semaphore_mem>>) src(%dma_wait3A_85 : memref<128xi32, #tpu.memory_space<hbm>>) dst(%dma_wait3A_82 : memref<128xi32, #tpu.memory_space<vmem>>)
      tpu.yield
    }) : () -> ()
    %dma_start3A = arith.constant 0 : i32
    %dma_start3A_25 = arith.constant 0 : i32
    %dma_start3A_26 = tpu.memref_slice %arg6[%dma_start3A, %dma_start3A_25] : memref<4x128xi32, #tpu.memory_space<vmem>> -> memref<1x128xi32, #tpu.memory_space<vmem>>
    %dma_start3A_27 = tpu.memref_squeeze %dma_start3A_26 : memref<1x128xi32, #tpu.memory_space<vmem>> -> memref<128xi32, #tpu.memory_space<vmem>>
    %dma_start3A_28 = arith.constant 0 : i32
    %dma_start3A_29 = arith.constant 0 : i32
    %dma_start3A_30 = tpu.memref_slice %arg2[%dma_start3A_28, %dma_start3A_29] : memref<10000x128xf32, #tpu.memory_space<hbm>> -> memref<10000x128xf32, #tpu.memory_space<hbm>>
    tpu.enqueue_indirect_dma source(%dma_start3A_30 : memref<10000x128xf32, #tpu.memory_space<hbm>>) target(%arg8 : memref<128x128xf32, #tpu.memory_space<vmem>>) offsets(%dma_start3A_27 : memref<128xi32, #tpu.memory_space<vmem>>) semaphore(%arg12 : memref<!tpu.dma_semaphore, #tpu.memory_space<semaphore_mem>>)
    %dma_start3A_31 = arith.constant 1 : i32
    %dma_start3A_32 = arith.constant 0 : i32
    %dma_start3A_33 = tpu.memref_slice %arg6[%dma_start3A_31, %dma_start3A_32] : memref<4x128xi32, #tpu.memory_space<vmem>> -> memref<1x128xi32, #tpu.memory_space<vmem>>
    %dma_start3A_34 = tpu.memref_squeeze %dma_start3A_33 : memref<1x128xi32, #tpu.memory_space<vmem>> -> memref<128xi32, #tpu.memory_space<vmem>>
    %dma_start3A_35 = arith.constant 0 : i32
    %dma_start3A_36 = arith.constant 0 : i32
    %dma_start3A_37 = tpu.memref_slice %arg2[%dma_start3A_35, %dma_start3A_36] : memref<10000x128xf32, #tpu.memory_space<hbm>> -> memref<10000x128xf32, #tpu.memory_space<hbm>>
    tpu.enqueue_indirect_dma source(%dma_start3A_37 : memref<10000x128xf32, #tpu.memory_space<hbm>>) target(%arg9 : memref<128x128xf32, #tpu.memory_space<vmem>>) offsets(%dma_start3A_34 : memref<128xi32, #tpu.memory_space<vmem>>) semaphore(%arg13 : memref<!tpu.dma_semaphore, #tpu.memory_space<semaphore_mem>>)
    %scan3A_38 = arith.constant 0 : i32
    %scan3A_39 = arith.constant 40 : i32
    %scan3A_40 = arith.addi %scan3A_38, %scan3A_39 : i32
    %scan3A_41 = arith.constant 1 : i32
    scf.for %scan3A_61 = %scan3A_38 to %scan3A_40 step %scan3A_41  : i32 {
      %mul3A_62 = arith.constant 1 : i32
      %mul3A_63 = arith.muli %scan3A_61, %mul3A_62 : i32
      %add3A_64 = arith.constant 0 : i32
      %add3A_65 = arith.addi %add3A_64, %mul3A_63 : i32
      %mul3A_66 = arith.constant 2 : i32
      %mul3A_67 = arith.muli %mul3A_66, %add3A_65 : i32
      %add3A_68 = arith.constant 0 : i32
      %add3A_69 = arith.addi %mul3A_67, %add3A_68 : i32
      %rem3A = arith.constant 4 : i32
      %rem3A_70 = arith.remsi %add3A_69, %rem3A : i32
      %dma_wait3A_71 = arith.constant 0 : i32
      %dma_wait3A_72 = tpu.memref_slice %arg6[%rem3A_70, %dma_wait3A_71] : memref<4x128xi32, #tpu.memory_space<vmem>> -> memref<1x128xi32, #tpu.memory_space<vmem>>
      %dma_wait3A_73 = tpu.memref_squeeze %dma_wait3A_72 : memref<1x128xi32, #tpu.memory_space<vmem>> -> memref<128xi32, #tpu.memory_space<vmem>>
      %dma_wait3A_74 = arith.constant 0 : i32
      %dma_wait3A_75 = arith.constant 0 : i32
      %dma_wait3A_76 = tpu.memref_slice %arg2[%dma_wait3A_74, %dma_wait3A_75] : memref<10000x128xf32, #tpu.memory_space<hbm>> -> memref<10000x128xf32, #tpu.memory_space<hbm>>
      tpu.wait_indirect_dma semaphore(%arg12 : memref<!tpu.dma_semaphore, #tpu.memory_space<semaphore_mem>>) src(%dma_wait3A_76 : memref<10000x128xf32, #tpu.memory_space<hbm>>) dst(%arg8 : memref<128x128xf32, #tpu.memory_space<vmem>>)
      %dma_start3A_77 = arith.constant 0 : i32
      %dma_start3A_78 = tpu.memref_slice %arg7[%rem3A_70, %dma_start3A_77] : memref<4x128xi32, #tpu.memory_space<vmem>> -> memref<1x128xi32, #tpu.memory_space<vmem>>
      %dma_start3A_79 = tpu.memref_squeeze %dma_start3A_78 : memref<1x128xi32, #tpu.memory_space<vmem>> -> memref<128xi32, #tpu.memory_space<vmem>>
      %dma_start3A_80 = arith.constant 0 : i32
      %dma_start3A_81 = arith.constant 0 : i32
      %dma_start3A_82 = tpu.memref_slice %arg11[%dma_start3A_80, %dma_start3A_81] : memref<10240x128xf32, #tpu.memory_space<vmem_shared>> -> memref<10240x128xf32, #tpu.memory_space<vmem_shared>>
      tpu.enqueue_indirect_dma source(%arg8 : memref<128x128xf32, #tpu.memory_space<vmem>>) target(%dma_start3A_82 : memref<10240x128xf32, #tpu.memory_space<vmem_shared>>) offsets(%dma_start3A_79 : memref<128xi32, #tpu.memory_space<vmem>>) semaphore(%arg14 : memref<!tpu.dma_semaphore, #tpu.memory_space<semaphore_mem>>) {add = true}
      %add3A_83 = arith.constant 2 : i32
      %add3A_84 = arith.addi %add3A_69, %add3A_83 : i32
      %lt3A = arith.constant 80 : i32
      %lt3A_85 = arith.cmpi slt, %add3A_84, %lt3A : i32
      %convert_element_type3A = arith.extui %lt3A_85 : i1 to i32
      %cond3A = arith.constant 0 : i32
      %cond3A_86 = arith.cmpi ne, %convert_element_type3A, %cond3A : i32
      scf.if %cond3A_86 {
        %dma_wait3A_112 = arith.constant 0 : i32
        %dma_wait3A_113 = tpu.memref_slice %arg7[%rem3A_70, %dma_wait3A_112] : memref<4x128xi32, #tpu.memory_space<vmem>> -> memref<1x128xi32, #tpu.memory_space<vmem>>
        %dma_wait3A_114 = tpu.memref_squeeze %dma_wait3A_113 : memref<1x128xi32, #tpu.memory_space<vmem>> -> memref<128xi32, #tpu.memory_space<vmem>>
        %dma_wait3A_115 = arith.constant 0 : i32
        %dma_wait3A_116 = arith.constant 0 : i32
        %dma_wait3A_117 = tpu.memref_slice %arg11[%dma_wait3A_115, %dma_wait3A_116] : memref<10240x128xf32, #tpu.memory_space<vmem_shared>> -> memref<10240x128xf32, #tpu.memory_space<vmem_shared>>
        tpu.wait_indirect_dma semaphore(%arg14 : memref<!tpu.dma_semaphore, #tpu.memory_space<semaphore_mem>>) src(%arg8 : memref<128x128xf32, #tpu.memory_space<vmem>>) dst(%dma_wait3A_117 : memref<10240x128xf32, #tpu.memory_space<vmem_shared>>)
        %add3A_118 = arith.constant 4 : i32
        %add3A_119 = arith.addi %add3A_69, %add3A_118 : i32
        %lt3A_120 = arith.constant 80 : i32
        %lt3A_121 = arith.cmpi slt, %add3A_119, %lt3A_120 : i32
        %convert_element_type3A_122 = arith.extui %lt3A_121 : i1 to i32
        %cond3A_123 = arith.constant 0 : i32
        %cond3A_124 = arith.cmpi ne, %convert_element_type3A_122, %cond3A_123 : i32
        scf.if %cond3A_124 {
          %add3A_139 = arith.constant 4 : i32
          %add3A_140 = arith.addi %add3A_69, %add3A_139 : i32
          %dma_start3A_141 = arith.constant 0 : i32
          %dma_start3A_142 = tpu.memref_slice %arg6[%rem3A_70, %dma_start3A_141] : memref<4x128xi32, #tpu.memory_space<vmem>> -> memref<1x128xi32, #tpu.memory_space<vmem>>
          %dma_start3A_143 = tpu.memref_squeeze %dma_start3A_142 : memref<1x128xi32, #tpu.memory_space<vmem>> -> memref<128xi32, #tpu.memory_space<vmem>>
          %dma_start3A_144 = arith.constant 0 : i32
          %dma_start3A_145 = tpu.memref_slice %arg3[%add3A, %add3A_140, %dma_start3A_144] : memref<32x80x128xi32, #tpu.memory_space<hbm>> -> memref<1x1x128xi32, #tpu.memory_space<hbm>>
          %dma_start3A_146 = tpu.memref_squeeze %dma_start3A_145 : memref<1x1x128xi32, #tpu.memory_space<hbm>> -> memref<128xi32, #tpu.memory_space<hbm>>
          %dma_start3A_147 = arith.constant 0 : i32
          %dma_start3A_148 = tpu.memref_slice %arg6[%rem3A_70, %dma_start3A_147] : memref<4x128xi32, #tpu.memory_space<vmem>> -> memref<1x128xi32, #tpu.memory_space<vmem>>
          %dma_start3A_149 = tpu.memref_squeeze %dma_start3A_148 : memref<1x128xi32, #tpu.memory_space<vmem>> -> memref<128xi32, #tpu.memory_space<vmem>>
          %dma_start3A_150 = arith.constant 0 : i32
          %dma_start3A_151 = tpu.memref_slice %arg3[%add3A, %add3A_140, %dma_start3A_150] : memref<32x80x128xi32, #tpu.memory_space<hbm>> -> memref<1x1x128xi32, #tpu.memory_space<hbm>>
          %dma_start3A_152 = tpu.memref_squeeze %dma_start3A_151 : memref<1x1x128xi32, #tpu.memory_space<hbm>> -> memref<128xi32, #tpu.memory_space<hbm>>
          tpu.enqueue_dma source(%dma_start3A_152 : memref<128xi32, #tpu.memory_space<hbm>>) target(%dma_start3A_149 : memref<128xi32, #tpu.memory_space<vmem>>) target_semaphore(%arg16 : memref<!tpu.dma_semaphore, #tpu.memory_space<semaphore_mem>>)
          %add3A_153 = arith.constant 4 : i32
          %add3A_154 = arith.addi %add3A_69, %add3A_153 : i32
          %dma_start3A_155 = arith.constant 0 : i32
          %dma_start3A_156 = tpu.memref_slice %arg7[%rem3A_70, %dma_start3A_155] : memref<4x128xi32, #tpu.memory_space<vmem>> -> memref<1x128xi32, #tpu.memory_space<vmem>>
          %dma_start3A_157 = tpu.memref_squeeze %dma_start3A_156 : memref<1x128xi32, #tpu.memory_space<vmem>> -> memref<128xi32, #tpu.memory_space<vmem>>
          %dma_start3A_158 = arith.constant 0 : i32
          %dma_start3A_159 = tpu.memref_slice %arg4[%add3A, %add3A_154, %dma_start3A_158] : memref<32x80x128xi32, #tpu.memory_space<hbm>> -> memref<1x1x128xi32, #tpu.memory_space<hbm>>
          %dma_start3A_160 = tpu.memref_squeeze %dma_start3A_159 : memref<1x1x128xi32, #tpu.memory_space<hbm>> -> memref<128xi32, #tpu.memory_space<hbm>>
          %dma_start3A_161 = arith.constant 0 : i32
          %dma_start3A_162 = tpu.memref_slice %arg7[%rem3A_70, %dma_start3A_161] : memref<4x128xi32, #tpu.memory_space<vmem>> -> memref<1x128xi32, #tpu.memory_space<vmem>>
          %dma_start3A_163 = tpu.memref_squeeze %dma_start3A_162 : memref<1x128xi32, #tpu.memory_space<vmem>> -> memref<128xi32, #tpu.memory_space<vmem>>
          %dma_start3A_164 = arith.constant 0 : i32
          %dma_start3A_165 = tpu.memref_slice %arg4[%add3A, %add3A_154, %dma_start3A_164] : memref<32x80x128xi32, #tpu.memory_space<hbm>> -> memref<1x1x128xi32, #tpu.memory_space<hbm>>
          %dma_start3A_166 = tpu.memref_squeeze %dma_start3A_165 : memref<1x1x128xi32, #tpu.memory_space<hbm>> -> memref<128xi32, #tpu.memory_space<hbm>>
          tpu.enqueue_dma source(%dma_start3A_166 : memref<128xi32, #tpu.memory_space<hbm>>) target(%dma_start3A_163 : memref<128xi32, #tpu.memory_space<vmem>>) target_semaphore(%arg16 : memref<!tpu.dma_semaphore, #tpu.memory_space<semaphore_mem>>)
        } else {
        }
        %add3A_125 = arith.constant 2 : i32
        %add3A_126 = arith.addi %add3A_69, %add3A_125 : i32
        %rem3A_127 = arith.constant 4 : i32
        %rem3A_128 = arith.remsi %add3A_126, %rem3A_127 : i32
        %ge3A = arith.constant 2 : i32
        %ge3A_129 = arith.cmpi sge, %add3A_69, %ge3A : i32
        %convert_element_type3A_130 = arith.extui %ge3A_129 : i1 to i32
        %cond3A_131 = arith.constant 0 : i32
        %cond3A_132 = arith.cmpi ne, %convert_element_type3A_130, %cond3A_131 : i32
        scf.if %cond3A_132 {
          %add3A_139 = arith.constant 2 : i32
          %add3A_140 = arith.addi %add3A_69, %add3A_139 : i32
          %dma_wait3A_141 = arith.constant 0 : i32
          %dma_wait3A_142 = tpu.memref_slice %arg6[%rem3A_128, %dma_wait3A_141] : memref<4x128xi32, #tpu.memory_space<vmem>> -> memref<1x128xi32, #tpu.memory_space<vmem>>
          %dma_wait3A_143 = tpu.memref_squeeze %dma_wait3A_142 : memref<1x128xi32, #tpu.memory_space<vmem>> -> memref<128xi32, #tpu.memory_space<vmem>>
          %dma_wait3A_144 = arith.constant 0 : i32
          %dma_wait3A_145 = tpu.memref_slice %arg3[%add3A, %add3A_140, %dma_wait3A_144] : memref<32x80x128xi32, #tpu.memory_space<hbm>> -> memref<1x1x128xi32, #tpu.memory_space<hbm>>
          %dma_wait3A_146 = tpu.memref_squeeze %dma_wait3A_145 : memref<1x1x128xi32, #tpu.memory_space<hbm>> -> memref<128xi32, #tpu.memory_space<hbm>>
          %dma_wait3A_147 = arith.constant 0 : i32
          %dma_wait3A_148 = tpu.memref_slice %arg6[%rem3A_128, %dma_wait3A_147] : memref<4x128xi32, #tpu.memory_space<vmem>> -> memref<1x128xi32, #tpu.memory_space<vmem>>
          %dma_wait3A_149 = tpu.memref_squeeze %dma_wait3A_148 : memref<1x128xi32, #tpu.memory_space<vmem>> -> memref<128xi32, #tpu.memory_space<vmem>>
          %dma_wait3A_150 = arith.constant 0 : i32
          %dma_wait3A_151 = tpu.memref_slice %arg3[%add3A, %add3A_140, %dma_wait3A_150] : memref<32x80x128xi32, #tpu.memory_space<hbm>> -> memref<1x1x128xi32, #tpu.memory_space<hbm>>
          %dma_wait3A_152 = tpu.memref_squeeze %dma_wait3A_151 : memref<1x1x128xi32, #tpu.memory_space<hbm>> -> memref<128xi32, #tpu.memory_space<hbm>>
          tpu.wait_dma2 semaphore(%arg16 : memref<!tpu.dma_semaphore, #tpu.memory_space<semaphore_mem>>) src(%dma_wait3A_152 : memref<128xi32, #tpu.memory_space<hbm>>) dst(%dma_wait3A_149 : memref<128xi32, #tpu.memory_space<vmem>>)
          %add3A_153 = arith.constant 2 : i32
          %add3A_154 = arith.addi %add3A_69, %add3A_153 : i32
          %dma_wait3A_155 = arith.constant 0 : i32
          %dma_wait3A_156 = tpu.memref_slice %arg7[%rem3A_128, %dma_wait3A_155] : memref<4x128xi32, #tpu.memory_space<vmem>> -> memref<1x128xi32, #tpu.memory_space<vmem>>
          %dma_wait3A_157 = tpu.memref_squeeze %dma_wait3A_156 : memref<1x128xi32, #tpu.memory_space<vmem>> -> memref<128xi32, #tpu.memory_space<vmem>>
          %dma_wait3A_158 = arith.constant 0 : i32
          %dma_wait3A_159 = tpu.memref_slice %arg4[%add3A, %add3A_154, %dma_wait3A_158] : memref<32x80x128xi32, #tpu.memory_space<hbm>> -> memref<1x1x128xi32, #tpu.memory_space<hbm>>
          %dma_wait3A_160 = tpu.memref_squeeze %dma_wait3A_159 : memref<1x1x128xi32, #tpu.memory_space<hbm>> -> memref<128xi32, #tpu.memory_space<hbm>>
          %dma_wait3A_161 = arith.constant 0 : i32
          %dma_wait3A_162 = tpu.memref_slice %arg7[%rem3A_128, %dma_wait3A_161] : memref<4x128xi32, #tpu.memory_space<vmem>> -> memref<1x128xi32, #tpu.memory_space<vmem>>
          %dma_wait3A_163 = tpu.memref_squeeze %dma_wait3A_162 : memref<1x128xi32, #tpu.memory_space<vmem>> -> memref<128xi32, #tpu.memory_space<vmem>>
          %dma_wait3A_164 = arith.constant 0 : i32
          %dma_wait3A_165 = tpu.memref_slice %arg4[%add3A, %add3A_154, %dma_wait3A_164] : memref<32x80x128xi32, #tpu.memory_space<hbm>> -> memref<1x1x128xi32, #tpu.memory_space<hbm>>
          %dma_wait3A_166 = tpu.memref_squeeze %dma_wait3A_165 : memref<1x1x128xi32, #tpu.memory_space<hbm>> -> memref<128xi32, #tpu.memory_space<hbm>>
          tpu.wait_dma2 semaphore(%arg16 : memref<!tpu.dma_semaphore, #tpu.memory_space<semaphore_mem>>) src(%dma_wait3A_166 : memref<128xi32, #tpu.memory_space<hbm>>) dst(%dma_wait3A_163 : memref<128xi32, #tpu.memory_space<vmem>>)
        } else {
        }
        %dma_start3A_133 = arith.constant 0 : i32
        %dma_start3A_134 = tpu.memref_slice %arg6[%rem3A_128, %dma_start3A_133] : memref<4x128xi32, #tpu.memory_space<vmem>> -> memref<1x128xi32, #tpu.memory_space<vmem>>
        %dma_start3A_135 = tpu.memref_squeeze %dma_start3A_134 : memref<1x128xi32, #tpu.memory_space<vmem>> -> memref<128xi32, #tpu.memory_space<vmem>>
        %dma_start3A_136 = arith.constant 0 : i32
        %dma_start3A_137 = arith.constant 0 : i32
        %dma_start3A_138 = tpu.memref_slice %arg2[%dma_start3A_136, %dma_start3A_137] : memref<10000x128xf32, #tpu.memory_space<hbm>> -> memref<10000x128xf32, #tpu.memory_space<hbm>>
        tpu.enqueue_indirect_dma source(%dma_start3A_138 : memref<10000x128xf32, #tpu.memory_space<hbm>>) target(%arg8 : memref<128x128xf32, #tpu.memory_space<vmem>>) offsets(%dma_start3A_135 : memref<128xi32, #tpu.memory_space<vmem>>) semaphore(%arg12 : memref<!tpu.dma_semaphore, #tpu.memory_space<semaphore_mem>>)
      } else {
      }
      %mul3A_87 = arith.constant 2 : i32
      %mul3A_88 = arith.muli %mul3A_87, %add3A_65 : i32
      %add3A_89 = arith.constant 1 : i32
      %add3A_90 = arith.addi %mul3A_88, %add3A_89 : i32
      %rem3A_91 = arith.constant 4 : i32
      %rem3A_92 = arith.remsi %add3A_90, %rem3A_91 : i32
      %dma_wait3A_93 = arith.constant 0 : i32
      %dma_wait3A_94 = tpu.memref_slice %arg6[%rem3A_92, %dma_wait3A_93] : memref<4x128xi32, #tpu.memory_space<vmem>> -> memref<1x128xi32, #tpu.memory_space<vmem>>
      %dma_wait3A_95 = tpu.memref_squeeze %dma_wait3A_94 : memref<1x128xi32, #tpu.memory_space<vmem>> -> memref<128xi32, #tpu.memory_space<vmem>>
      %dma_wait3A_96 = arith.constant 0 : i32
      %dma_wait3A_97 = arith.constant 0 : i32
      %dma_wait3A_98 = tpu.memref_slice %arg2[%dma_wait3A_96, %dma_wait3A_97] : memref<10000x128xf32, #tpu.memory_space<hbm>> -> memref<10000x128xf32, #tpu.memory_space<hbm>>
      tpu.wait_indirect_dma semaphore(%arg13 : memref<!tpu.dma_semaphore, #tpu.memory_space<semaphore_mem>>) src(%dma_wait3A_98 : memref<10000x128xf32, #tpu.memory_space<hbm>>) dst(%arg9 : memref<128x128xf32, #tpu.memory_space<vmem>>)
      %dma_start3A_99 = arith.constant 0 : i32
      %dma_start3A_100 = tpu.memref_slice %arg7[%rem3A_92, %dma_start3A_99] : memref<4x128xi32, #tpu.memory_space<vmem>> -> memref<1x128xi32, #tpu.memory_space<vmem>>
      %dma_start3A_101 = tpu.memref_squeeze %dma_start3A_100 : memref<1x128xi32, #tpu.memory_space<vmem>> -> memref<128xi32, #tpu.memory_space<vmem>>
      %dma_start3A_102 = arith.constant 0 : i32
      %dma_start3A_103 = arith.constant 0 : i32
      %dma_start3A_104 = tpu.memref_slice %arg11[%dma_start3A_102, %dma_start3A_103] : memref<10240x128xf32, #tpu.memory_space<vmem_shared>> -> memref<10240x128xf32, #tpu.memory_space<vmem_shared>>
      tpu.enqueue_indirect_dma source(%arg9 : memref<128x128xf32, #tpu.memory_space<vmem>>) target(%dma_start3A_104 : memref<10240x128xf32, #tpu.memory_space<vmem_shared>>) offsets(%dma_start3A_101 : memref<128xi32, #tpu.memory_space<vmem>>) semaphore(%arg15 : memref<!tpu.dma_semaphore, #tpu.memory_space<semaphore_mem>>) {add = true}
      %add3A_105 = arith.constant 2 : i32
      %add3A_106 = arith.addi %add3A_90, %add3A_105 : i32
      %lt3A_107 = arith.constant 80 : i32
      %lt3A_108 = arith.cmpi slt, %add3A_106, %lt3A_107 : i32
      %convert_element_type3A_109 = arith.extui %lt3A_108 : i1 to i32
      %cond3A_110 = arith.constant 0 : i32
      %cond3A_111 = arith.cmpi ne, %convert_element_type3A_109, %cond3A_110 : i32
      scf.if %cond3A_111 {
        %dma_wait3A_112 = arith.constant 0 : i32
        %dma_wait3A_113 = tpu.memref_slice %arg7[%rem3A_92, %dma_wait3A_112] : memref<4x128xi32, #tpu.memory_space<vmem>> -> memref<1x128xi32, #tpu.memory_space<vmem>>
        %dma_wait3A_114 = tpu.memref_squeeze %dma_wait3A_113 : memref<1x128xi32, #tpu.memory_space<vmem>> -> memref<128xi32, #tpu.memory_space<vmem>>
        %dma_wait3A_115 = arith.constant 0 : i32
        %dma_wait3A_116 = arith.constant 0 : i32
        %dma_wait3A_117 = tpu.memref_slice %arg11[%dma_wait3A_115, %dma_wait3A_116] : memref<10240x128xf32, #tpu.memory_space<vmem_shared>> -> memref<10240x128xf32, #tpu.memory_space<vmem_shared>>
        tpu.wait_indirect_dma semaphore(%arg15 : memref<!tpu.dma_semaphore, #tpu.memory_space<semaphore_mem>>) src(%arg9 : memref<128x128xf32, #tpu.memory_space<vmem>>) dst(%dma_wait3A_117 : memref<10240x128xf32, #tpu.memory_space<vmem_shared>>)
        %add3A_118 = arith.constant 4 : i32
        %add3A_119 = arith.addi %add3A_90, %add3A_118 : i32
        %lt3A_120 = arith.constant 80 : i32
        %lt3A_121 = arith.cmpi slt, %add3A_119, %lt3A_120 : i32
        %convert_element_type3A_122 = arith.extui %lt3A_121 : i1 to i32
        %cond3A_123 = arith.constant 0 : i32
        %cond3A_124 = arith.cmpi ne, %convert_element_type3A_122, %cond3A_123 : i32
        scf.if %cond3A_124 {
          %add3A_139 = arith.constant 4 : i32
          %add3A_140 = arith.addi %add3A_90, %add3A_139 : i32
          %dma_start3A_141 = arith.constant 0 : i32
          %dma_start3A_142 = tpu.memref_slice %arg6[%rem3A_92, %dma_start3A_141] : memref<4x128xi32, #tpu.memory_space<vmem>> -> memref<1x128xi32, #tpu.memory_space<vmem>>
          %dma_start3A_143 = tpu.memref_squeeze %dma_start3A_142 : memref<1x128xi32, #tpu.memory_space<vmem>> -> memref<128xi32, #tpu.memory_space<vmem>>
          %dma_start3A_144 = arith.constant 0 : i32
          %dma_start3A_145 = tpu.memref_slice %arg3[%add3A, %add3A_140, %dma_start3A_144] : memref<32x80x128xi32, #tpu.memory_space<hbm>> -> memref<1x1x128xi32, #tpu.memory_space<hbm>>
          %dma_start3A_146 = tpu.memref_squeeze %dma_start3A_145 : memref<1x1x128xi32, #tpu.memory_space<hbm>> -> memref<128xi32, #tpu.memory_space<hbm>>
          %dma_start3A_147 = arith.constant 0 : i32
          %dma_start3A_148 = tpu.memref_slice %arg6[%rem3A_92, %dma_start3A_147] : memref<4x128xi32, #tpu.memory_space<vmem>> -> memref<1x128xi32, #tpu.memory_space<vmem>>
          %dma_start3A_149 = tpu.memref_squeeze %dma_start3A_148 : memref<1x128xi32, #tpu.memory_space<vmem>> -> memref<128xi32, #tpu.memory_space<vmem>>
          %dma_start3A_150 = arith.constant 0 : i32
          %dma_start3A_151 = tpu.memref_slice %arg3[%add3A, %add3A_140, %dma_start3A_150] : memref<32x80x128xi32, #tpu.memory_space<hbm>> -> memref<1x1x128xi32, #tpu.memory_space<hbm>>
          %dma_start3A_152 = tpu.memref_squeeze %dma_start3A_151 : memref<1x1x128xi32, #tpu.memory_space<hbm>> -> memref<128xi32, #tpu.memory_space<hbm>>
          tpu.enqueue_dma source(%dma_start3A_152 : memref<128xi32, #tpu.memory_space<hbm>>) target(%dma_start3A_149 : memref<128xi32, #tpu.memory_space<vmem>>) target_semaphore(%arg16 : memref<!tpu.dma_semaphore, #tpu.memory_space<semaphore_mem>>)
          %add3A_153 = arith.constant 4 : i32
          %add3A_154 = arith.addi %add3A_90, %add3A_153 : i32
          %dma_start3A_155 = arith.constant 0 : i32
          %dma_start3A_156 = tpu.memref_slice %arg7[%rem3A_92, %dma_start3A_155] : memref<4x128xi32, #tpu.memory_space<vmem>> -> memref<1x128xi32, #tpu.memory_space<vmem>>
          %dma_start3A_157 = tpu.memref_squeeze %dma_start3A_156 : memref<1x128xi32, #tpu.memory_space<vmem>> -> memref<128xi32, #tpu.memory_space<vmem>>
          %dma_start3A_158 = arith.constant 0 : i32
          %dma_start3A_159 = tpu.memref_slice %arg4[%add3A, %add3A_154, %dma_start3A_158] : memref<32x80x128xi32, #tpu.memory_space<hbm>> -> memref<1x1x128xi32, #tpu.memory_space<hbm>>
          %dma_start3A_160 = tpu.memref_squeeze %dma_start3A_159 : memref<1x1x128xi32, #tpu.memory_space<hbm>> -> memref<128xi32, #tpu.memory_space<hbm>>
          %dma_start3A_161 = arith.constant 0 : i32
          %dma_start3A_162 = tpu.memref_slice %arg7[%rem3A_92, %dma_start3A_161] : memref<4x128xi32, #tpu.memory_space<vmem>> -> memref<1x128xi32, #tpu.memory_space<vmem>>
          %dma_start3A_163 = tpu.memref_squeeze %dma_start3A_162 : memref<1x128xi32, #tpu.memory_space<vmem>> -> memref<128xi32, #tpu.memory_space<vmem>>
          %dma_start3A_164 = arith.constant 0 : i32
          %dma_start3A_165 = tpu.memref_slice %arg4[%add3A, %add3A_154, %dma_start3A_164] : memref<32x80x128xi32, #tpu.memory_space<hbm>> -> memref<1x1x128xi32, #tpu.memory_space<hbm>>
          %dma_start3A_166 = tpu.memref_squeeze %dma_start3A_165 : memref<1x1x128xi32, #tpu.memory_space<hbm>> -> memref<128xi32, #tpu.memory_space<hbm>>
          tpu.enqueue_dma source(%dma_start3A_166 : memref<128xi32, #tpu.memory_space<hbm>>) target(%dma_start3A_163 : memref<128xi32, #tpu.memory_space<vmem>>) target_semaphore(%arg16 : memref<!tpu.dma_semaphore, #tpu.memory_space<semaphore_mem>>)
        } else {
        }
        %add3A_125 = arith.constant 2 : i32
        %add3A_126 = arith.addi %add3A_90, %add3A_125 : i32
        %rem3A_127 = arith.constant 4 : i32
        %rem3A_128 = arith.remsi %add3A_126, %rem3A_127 : i32
        %ge3A = arith.constant 2 : i32
        %ge3A_129 = arith.cmpi sge, %add3A_90, %ge3A : i32
        %convert_element_type3A_130 = arith.extui %ge3A_129 : i1 to i32
        %cond3A_131 = arith.constant 0 : i32
        %cond3A_132 = arith.cmpi ne, %convert_element_type3A_130, %cond3A_131 : i32
        scf.if %cond3A_132 {
          %add3A_139 = arith.constant 2 : i32
          %add3A_140 = arith.addi %add3A_90, %add3A_139 : i32
          %dma_wait3A_141 = arith.constant 0 : i32
          %dma_wait3A_142 = tpu.memref_slice %arg6[%rem3A_128, %dma_wait3A_141] : memref<4x128xi32, #tpu.memory_space<vmem>> -> memref<1x128xi32, #tpu.memory_space<vmem>>
          %dma_wait3A_143 = tpu.memref_squeeze %dma_wait3A_142 : memref<1x128xi32, #tpu.memory_space<vmem>> -> memref<128xi32, #tpu.memory_space<vmem>>
          %dma_wait3A_144 = arith.constant 0 : i32
          %dma_wait3A_145 = tpu.memref_slice %arg3[%add3A, %add3A_140, %dma_wait3A_144] : memref<32x80x128xi32, #tpu.memory_space<hbm>> -> memref<1x1x128xi32, #tpu.memory_space<hbm>>
          %dma_wait3A_146 = tpu.memref_squeeze %dma_wait3A_145 : memref<1x1x128xi32, #tpu.memory_space<hbm>> -> memref<128xi32, #tpu.memory_space<hbm>>
          %dma_wait3A_147 = arith.constant 0 : i32
          %dma_wait3A_148 = tpu.memref_slice %arg6[%rem3A_128, %dma_wait3A_147] : memref<4x128xi32, #tpu.memory_space<vmem>> -> memref<1x128xi32, #tpu.memory_space<vmem>>
          %dma_wait3A_149 = tpu.memref_squeeze %dma_wait3A_148 : memref<1x128xi32, #tpu.memory_space<vmem>> -> memref<128xi32, #tpu.memory_space<vmem>>
          %dma_wait3A_150 = arith.constant 0 : i32
          %dma_wait3A_151 = tpu.memref_slice %arg3[%add3A, %add3A_140, %dma_wait3A_150] : memref<32x80x128xi32, #tpu.memory_space<hbm>> -> memref<1x1x128xi32, #tpu.memory_space<hbm>>
          %dma_wait3A_152 = tpu.memref_squeeze %dma_wait3A_151 : memref<1x1x128xi32, #tpu.memory_space<hbm>> -> memref<128xi32, #tpu.memory_space<hbm>>
          tpu.wait_dma2 semaphore(%arg16 : memref<!tpu.dma_semaphore, #tpu.memory_space<semaphore_mem>>) src(%dma_wait3A_152 : memref<128xi32, #tpu.memory_space<hbm>>) dst(%dma_wait3A_149 : memref<128xi32, #tpu.memory_space<vmem>>)
          %add3A_153 = arith.constant 2 : i32
          %add3A_154 = arith.addi %add3A_90, %add3A_153 : i32
          %dma_wait3A_155 = arith.constant 0 : i32
          %dma_wait3A_156 = tpu.memref_slice %arg7[%rem3A_128, %dma_wait3A_155] : memref<4x128xi32, #tpu.memory_space<vmem>> -> memref<1x128xi32, #tpu.memory_space<vmem>>
          %dma_wait3A_157 = tpu.memref_squeeze %dma_wait3A_156 : memref<1x128xi32, #tpu.memory_space<vmem>> -> memref<128xi32, #tpu.memory_space<vmem>>
          %dma_wait3A_158 = arith.constant 0 : i32
          %dma_wait3A_159 = tpu.memref_slice %arg4[%add3A, %add3A_154, %dma_wait3A_158] : memref<32x80x128xi32, #tpu.memory_space<hbm>> -> memref<1x1x128xi32, #tpu.memory_space<hbm>>
          %dma_wait3A_160 = tpu.memref_squeeze %dma_wait3A_159 : memref<1x1x128xi32, #tpu.memory_space<hbm>> -> memref<128xi32, #tpu.memory_space<hbm>>
          %dma_wait3A_161 = arith.constant 0 : i32
          %dma_wait3A_162 = tpu.memref_slice %arg7[%rem3A_128, %dma_wait3A_161] : memref<4x128xi32, #tpu.memory_space<vmem>> -> memref<1x128xi32, #tpu.memory_space<vmem>>
          %dma_wait3A_163 = tpu.memref_squeeze %dma_wait3A_162 : memref<1x128xi32, #tpu.memory_space<vmem>> -> memref<128xi32, #tpu.memory_space<vmem>>
          %dma_wait3A_164 = arith.constant 0 : i32
          %dma_wait3A_165 = tpu.memref_slice %arg4[%add3A, %add3A_154, %dma_wait3A_164] : memref<32x80x128xi32, #tpu.memory_space<hbm>> -> memref<1x1x128xi32, #tpu.memory_space<hbm>>
          %dma_wait3A_166 = tpu.memref_squeeze %dma_wait3A_165 : memref<1x1x128xi32, #tpu.memory_space<hbm>> -> memref<128xi32, #tpu.memory_space<hbm>>
          tpu.wait_dma2 semaphore(%arg16 : memref<!tpu.dma_semaphore, #tpu.memory_space<semaphore_mem>>) src(%dma_wait3A_166 : memref<128xi32, #tpu.memory_space<hbm>>) dst(%dma_wait3A_163 : memref<128xi32, #tpu.memory_space<vmem>>)
        } else {
        }
        %dma_start3A_133 = arith.constant 0 : i32
        %dma_start3A_134 = tpu.memref_slice %arg6[%rem3A_128, %dma_start3A_133] : memref<4x128xi32, #tpu.memory_space<vmem>> -> memref<1x128xi32, #tpu.memory_space<vmem>>
        %dma_start3A_135 = tpu.memref_squeeze %dma_start3A_134 : memref<1x128xi32, #tpu.memory_space<vmem>> -> memref<128xi32, #tpu.memory_space<vmem>>
        %dma_start3A_136 = arith.constant 0 : i32
        %dma_start3A_137 = arith.constant 0 : i32
        %dma_start3A_138 = tpu.memref_slice %arg2[%dma_start3A_136, %dma_start3A_137] : memref<10000x128xf32, #tpu.memory_space<hbm>> -> memref<10000x128xf32, #tpu.memory_space<hbm>>
        tpu.enqueue_indirect_dma source(%dma_start3A_138 : memref<10000x128xf32, #tpu.memory_space<hbm>>) target(%arg9 : memref<128x128xf32, #tpu.memory_space<vmem>>) offsets(%dma_start3A_135 : memref<128xi32, #tpu.memory_space<vmem>>) semaphore(%arg13 : memref<!tpu.dma_semaphore, #tpu.memory_space<semaphore_mem>>)
      } else {
      }
    }
    %scan3A_42 = arith.constant 40 : i32
    %dma_wait3A = arith.constant 2 : i32
    %dma_wait3A_43 = arith.constant 0 : i32
    %dma_wait3A_44 = tpu.memref_slice %arg7[%dma_wait3A, %dma_wait3A_43] : memref<4x128xi32, #tpu.memory_space<vmem>> -> memref<1x128xi32, #tpu.memory_space<vmem>>
    %dma_wait3A_45 = tpu.memref_squeeze %dma_wait3A_44 : memref<1x128xi32, #tpu.memory_space<vmem>> -> memref<128xi32, #tpu.memory_space<vmem>>
    %dma_wait3A_46 = arith.constant 0 : i32
    %dma_wait3A_47 = arith.constant 0 : i32
    %dma_wait3A_48 = tpu.memref_slice %arg11[%dma_wait3A_46, %dma_wait3A_47] : memref<10240x128xf32, #tpu.memory_space<vmem_shared>> -> memref<10240x128xf32, #tpu.memory_space<vmem_shared>>
    tpu.wait_indirect_dma semaphore(%arg14 : memref<!tpu.dma_semaphore, #tpu.memory_space<semaphore_mem>>) src(%arg8 : memref<128x128xf32, #tpu.memory_space<vmem>>) dst(%dma_wait3A_48 : memref<10240x128xf32, #tpu.memory_space<vmem_shared>>)
    %dma_wait3A_49 = arith.constant 3 : i32
    %dma_wait3A_50 = arith.constant 0 : i32
    %dma_wait3A_51 = tpu.memref_slice %arg7[%dma_wait3A_49, %dma_wait3A_50] : memref<4x128xi32, #tpu.memory_space<vmem>> -> memref<1x128xi32, #tpu.memory_space<vmem>>
    %dma_wait3A_52 = tpu.memref_squeeze %dma_wait3A_51 : memref<1x128xi32, #tpu.memory_space<vmem>> -> memref<128xi32, #tpu.memory_space<vmem>>
    %dma_wait3A_53 = arith.constant 0 : i32
    %dma_wait3A_54 = arith.constant 0 : i32
    %dma_wait3A_55 = tpu.memref_slice %arg11[%dma_wait3A_53, %dma_wait3A_54] : memref<10240x128xf32, #tpu.memory_space<vmem_shared>> -> memref<10240x128xf32, #tpu.memory_space<vmem_shared>>
    tpu.wait_indirect_dma semaphore(%arg15 : memref<!tpu.dma_semaphore, #tpu.memory_space<semaphore_mem>>) src(%arg9 : memref<128x128xf32, #tpu.memory_space<vmem>>) dst(%dma_wait3A_55 : memref<10240x128xf32, #tpu.memory_space<vmem_shared>>)
    %barrier3A_56 = arith.constant 0 : index
    tpu.barrier barrier_id(%barrier3A_56)
    %mul3A_57 = arith.constant 640 : i32
    %mul3A_58 = arith.muli %arg1, %mul3A_57 : i32
    %mul3A_59 = arith.constant 640 : i32
    %mul3A_60 = arith.muli %arg1, %mul3A_59 : i32
    "tpu.region"() ({
      %run_scoped3A_61 = tpu.sem_alloc : memref<!tpu.dma_semaphore, #tpu.memory_space<semaphore_mem>>
      %dma_start3A_62 = arith.constant 0 : i32
      %dma_start3A_63 = tpu.memref_slice %arg5[%arg0, %mul3A_60, %dma_start3A_62] : memref<2x10240x128xf32, #tpu.memory_space<hbm>> -> memref<1x640x128xf32, #tpu.memory_space<hbm>>
      %dma_start3A_64 = tpu.memref_squeeze %dma_start3A_63 : memref<1x640x128xf32, #tpu.memory_space<hbm>> -> memref<640x128xf32, #tpu.memory_space<hbm>>
      %dma_start3A_65 = arith.constant 0 : i32
      %dma_start3A_66 = tpu.memref_slice %arg11[%mul3A_58, %dma_start3A_65] : memref<10240x128xf32, #tpu.memory_space<vmem_shared>> -> memref<640x128xf32, #tpu.memory_space<vmem_shared>>
      tpu.enqueue_dma source(%dma_start3A_66 : memref<640x128xf32, #tpu.memory_space<vmem_shared>>) target(%dma_start3A_64 : memref<640x128xf32, #tpu.memory_space<hbm>>) target_semaphore(%run_scoped3A_61 : memref<!tpu.dma_semaphore, #tpu.memory_space<semaphore_mem>>)
      %dma_wait3A_67 = arith.constant 0 : i32
      %dma_wait3A_68 = tpu.memref_slice %arg5[%arg0, %mul3A_60, %dma_wait3A_67] : memref<2x10240x128xf32, #tpu.memory_space<hbm>> -> memref<1x640x128xf32, #tpu.memory_space<hbm>>
      %dma_wait3A_69 = tpu.memref_squeeze %dma_wait3A_68 : memref<1x640x128xf32, #tpu.memory_space<hbm>> -> memref<640x128xf32, #tpu.memory_space<hbm>>
      %dma_wait3A_70 = arith.constant 0 : i32
      %dma_wait3A_71 = tpu.memref_slice %arg11[%mul3A_58, %dma_wait3A_70] : memref<10240x128xf32, #tpu.memory_space<vmem_shared>> -> memref<640x128xf32, #tpu.memory_space<vmem_shared>>
      tpu.wait_dma2 semaphore(%run_scoped3A_61 : memref<!tpu.dma_semaphore, #tpu.memory_space<semaphore_mem>>) src(%dma_wait3A_71 : memref<640x128xf32, #tpu.memory_space<vmem_shared>>) dst(%dma_wait3A_69 : memref<640x128xf32, #tpu.memory_space<hbm>>)
      tpu.yield
    }) : () -> ()
    return
  }
}

module attributes {stable_mosaic.version = 14 : i64} {
  func.func @_mm_body(%arg0: i32, %arg1: memref<1024x128xf32, #tpu.memory_space<vmem>>, %arg2: memref<128x128xf32, #tpu.memory_space<vmem>>, %arg3: memref<32x1024xf32, #tpu.memory_space<vmem>>, %arg4: memref<1024x128xf32, #tpu.memory_space<vmem>>) attributes {dimension_semantics = [#tpu.dimension_semantics<arbitrary>], iteration_bounds = array<i64: 10>, scalar_prefetch = 0 : i64, scratch_operands = 0 : i64, tpu.core_type = #tpu.core_type<tc>, window_params = [{transform_indices = @transform_0, window_bounds = array<i64: 1024, 128>}, {pipeline_mode = #tpu.pipeline_mode<synchronous>, transform_indices = @transform_1, window_bounds = array<i64: 128, 128>}, {transform_indices = @transform_2, window_bounds = array<i64: 32, 1024>}, {transform_indices = @transform_3, window_bounds = array<i64: 1024, 128>}]} {
    %get3A = arith.constant 0 : index
    %get3A_0 = arith.constant 0 : index
    %get3A_1 = vector.load %arg3[%get3A, %get3A_0] : memref<32x1024xf32, #tpu.memory_space<vmem>>, vector<32x1024xf32>
    %reduce_sum3A = arith.constant dense<0.000000e+00> : vector<1024xf32>
    %reduce_sum3A_2 = vector.multi_reduction <add>, %get3A_1, %reduce_sum3A [0] : vector<32x1024xf32> to vector<1024xf32>
    %add3A = arith.constant 1.000000e+00 : f32
    %add3A_3 = vector.broadcast %add3A : f32 to vector<1024xf32>
    %add3A_4 = arith.addf %reduce_sum3A_2, %add3A_3 : vector<1024xf32>
    %sqrt3A = math.sqrt %add3A_4 : vector<1024xf32>
    %div3A = arith.constant 1.000000e+00 : f32
    %div3A_5 = vector.broadcast %div3A : f32 to vector<1024xf32>
    %div3A_6 = arith.divf %div3A_5, %sqrt3A : vector<1024xf32>
    %get3A_7 = arith.constant 0 : index
    %get3A_8 = arith.constant 0 : index
    %get3A_9 = vector.load %arg1[%get3A_7, %get3A_8] : memref<1024x128xf32, #tpu.memory_space<vmem>>, vector<1024x128xf32>
    %get3A_10 = arith.constant 0 : index
    %get3A_11 = arith.constant 0 : index
    %get3A_12 = vector.load %arg2[%get3A_10, %get3A_11] : memref<128x128xf32, #tpu.memory_space<vmem>>, vector<128x128xf32>
    %dot_general3A = arith.constant dense<0.000000e+00> : vector<1024x128xf32>
    %dot_general3A_13 = tpu.matmul %get3A_9, %get3A_12, %dot_general3A {dimension_numbers = #tpu.dot_dimension_numbers<[1], [0], [0], [1], [0, 0, 1, 1], [], []>, transpose_lhs_hint = false} : vector<1024x128xf32>, vector<128x128xf32>, vector<1024x128xf32> -> vector<1024x128xf32>
    %broadcast_in_dim3A = vector.shape_cast %div3A_6 : vector<1024xf32> to vector<1024x1xf32>
    %mul3A = vector.broadcast %broadcast_in_dim3A : vector<1024x1xf32> to vector<1024x128xf32>
    %mul3A_14 = arith.mulf %dot_general3A_13, %mul3A : vector<1024x128xf32>
    %swap3A = arith.constant 0 : index
    %swap3A_15 = arith.constant 0 : index
    %swap3A_16 = vector.load %arg4[%swap3A, %swap3A_15] : memref<1024x128xf32, #tpu.memory_space<vmem>>, vector<1024x128xf32>
    tpu.vector_store %arg4[%swap3A, %swap3A_15], %mul3A_14 {strides = array<i32>} : memref<1024x128xf32, #tpu.memory_space<vmem>>, vector<1024x128xf32>,
    return
  }
  func.func @transform_0(%arg0: i32) -> (i32, i32) {
    %c0_i32 = arith.constant 0 : i32
    %c0_i32_0 = arith.constant 0 : i32
    return %arg0, %c0_i32 : i32, i32
  }
  func.func @transform_1(%arg0: i32) -> (i32, i32) {
    %c0_i32 = arith.constant 0 : i32
    %c0_i32_0 = arith.constant 0 : i32
    %c0_i32_1 = arith.constant 0 : i32
    return %c0_i32, %c0_i32_0 : i32, i32
  }
  func.func @transform_2(%arg0: i32) -> (i32, i32) {
    %c0_i32 = arith.constant 0 : i32
    %c0_i32_0 = arith.constant 0 : i32
    return %c0_i32, %arg0 : i32, i32
  }
  func.func @transform_3(%arg0: i32) -> (i32, i32) {
    %c0_i32 = arith.constant 0 : i32
    %c0_i32_0 = arith.constant 0 : i32
    return %arg0, %c0_i32 : i32, i32
  }
}

module attributes {stable_mosaic.version = 14 : i64} {
  func.func @_out_body(%arg0: i32, %arg1: memref<2x1024x128xf32, #tpu.memory_space<vmem>>, %arg2: memref<1024x128xf32, #tpu.memory_space<vmem>>, %arg3: memref<32x1024xf32, #tpu.memory_space<vmem>>, %arg4: memref<1x128xf32, #tpu.memory_space<vmem>>, %arg5: memref<1024x128xf32, #tpu.memory_space<vmem>>) attributes {dimension_semantics = [#tpu.dimension_semantics<arbitrary>], iteration_bounds = array<i64: 10>, scalar_prefetch = 0 : i64, scratch_operands = 0 : i64, tpu.core_type = #tpu.core_type<tc>, window_params = [{transform_indices = @transform_0, window_bounds = array<i64: 2, 1024, 128>}, {transform_indices = @transform_1, window_bounds = array<i64: 1024, 128>}, {transform_indices = @transform_2, window_bounds = array<i64: 32, 1024>}, {pipeline_mode = #tpu.pipeline_mode<synchronous>, transform_indices = @transform_3, window_bounds = array<i64: 1, 128>}, {transform_indices = @transform_4, window_bounds = array<i64: 1024, 128>}]} {
    %get3A = arith.constant 0 : index
    %get3A_0 = arith.constant 0 : index
    %get3A_1 = vector.load %arg3[%get3A, %get3A_0] : memref<32x1024xf32, #tpu.memory_space<vmem>>, vector<32x1024xf32>
    %reduce_sum3A = arith.constant dense<0.000000e+00> : vector<1024xf32>
    %reduce_sum3A_2 = vector.multi_reduction <add>, %get3A_1, %reduce_sum3A [0] : vector<32x1024xf32> to vector<1024xf32>
    %add3A = arith.constant 1.000000e+00 : f32
    %add3A_3 = vector.broadcast %add3A : f32 to vector<1024xf32>
    %add3A_4 = arith.addf %reduce_sum3A_2, %add3A_3 : vector<1024xf32>
    %sqrt3A = math.sqrt %add3A_4 : vector<1024xf32>
    %div3A = arith.constant 1.000000e+00 : f32
    %div3A_5 = vector.broadcast %div3A : f32 to vector<1024xf32>
    %div3A_6 = arith.divf %div3A_5, %sqrt3A : vector<1024xf32>
    %get3A_7 = arith.constant 0 : index
    %get3A_8 = arith.constant 0 : index
    %get3A_9 = arith.constant 0 : index
    %get3A_10 = vector.load %arg1[%get3A_7, %get3A_8, %get3A_9] : memref<2x1024x128xf32, #tpu.memory_space<vmem>>, vector<1x1024x128xf32>
    %get3A_11 = vector.shape_cast %get3A_10 : vector<1x1024x128xf32> to vector<1024x128xf32>
    %get3A_12 = arith.constant 1 : index
    %get3A_13 = arith.constant 0 : index
    %get3A_14 = arith.constant 0 : index
    %get3A_15 = vector.load %arg1[%get3A_12, %get3A_13, %get3A_14] : memref<2x1024x128xf32, #tpu.memory_space<vmem>>, vector<1x1024x128xf32>
    %get3A_16 = vector.shape_cast %get3A_15 : vector<1x1024x128xf32> to vector<1024x128xf32>
    %add3A_17 = arith.addf %get3A_11, %get3A_16 : vector<1024x128xf32>
    %get3A_18 = arith.constant 0 : index
    %get3A_19 = arith.constant 0 : index
    %get3A_20 = vector.load %arg2[%get3A_18, %get3A_19] : memref<1024x128xf32, #tpu.memory_space<vmem>>, vector<1024x128xf32>
    %add3A_21 = arith.addf %add3A_17, %get3A_20 : vector<1024x128xf32>
    %broadcast_in_dim3A = vector.shape_cast %div3A_6 : vector<1024xf32> to vector<1024x1xf32>
    %mul3A = vector.broadcast %broadcast_in_dim3A : vector<1024x1xf32> to vector<1024x128xf32>
    %mul3A_22 = arith.mulf %add3A_21, %mul3A : vector<1024x128xf32>
    %get3A_23 = arith.constant 0 : index
    %get3A_24 = arith.constant 0 : index
    %get3A_25 = vector.load %arg4[%get3A_23, %get3A_24] : memref<1x128xf32, #tpu.memory_space<vmem>>, vector<1x128xf32>
    %add3A_26 = vector.broadcast %get3A_25 : vector<1x128xf32> to vector<1024x128xf32>
    %add3A_27 = arith.addf %mul3A_22, %add3A_26 : vector<1024x128xf32>
    %max3A = arith.constant 0.000000e+00 : f32
    %max3A_28 = vector.broadcast %max3A : f32 to vector<1024x128xf32>
    %max3A_29 = arith.maximumf %add3A_27, %max3A_28 : vector<1024x128xf32>
    %swap3A = arith.constant 0 : index
    %swap3A_30 = arith.constant 0 : index
    %swap3A_31 = vector.load %arg5[%swap3A, %swap3A_30] : memref<1024x128xf32, #tpu.memory_space<vmem>>, vector<1024x128xf32>
    tpu.vector_store %arg5[%swap3A, %swap3A_30], %max3A_29 {strides = array<i32>} : memref<1024x128xf32, #tpu.memory_space<vmem>>, vector<1024x128xf32>,
    return
  }
  func.func @transform_0(%arg0: i32) -> (i32, i32, i32) {
    %c0_i32 = arith.constant 0 : i32
    %c0_i32_0 = arith.constant 0 : i32
    %c0_i32_1 = arith.constant 0 : i32
    return %c0_i32, %arg0, %c0_i32_0 : i32, i32, i32
  }
  func.func @transform_1(%arg0: i32) -> (i32, i32) {
    %c0_i32 = arith.constant 0 : i32
    %c0_i32_0 = arith.constant 0 : i32
    return %arg0, %c0_i32 : i32, i32
  }
  func.func @transform_2(%arg0: i32) -> (i32, i32) {
    %c0_i32 = arith.constant 0 : i32
    %c0_i32_0 = arith.constant 0 : i32
    return %c0_i32, %arg0 : i32, i32
  }
  func.func @transform_3(%arg0: i32) -> (i32, i32) {
    %c0_i32 = arith.constant 0 : i32
    %c0_i32_0 = arith.constant 0 : i32
    %c0_i32_1 = arith.constant 0 : i32
    return %c0_i32, %c0_i32_0 : i32, i32
  }
  func.func @transform_4(%arg0: i32) -> (i32, i32) {
    %c0_i32 = arith.constant 0 : i32
    %c0_i32_0 = arith.constant 0 : i32
    return %arg0, %c0_i32 : i32, i32
  }
}

</mosaic_0001>

<sc_bundles>
// kernel: kernel.6.cloned.1.call-start
scs
__scs_entry_jumppad:
0x0: {  	(pc) =	sbr.rel $0x88, $3  }
0x1: {  	(tag) =	ssettag $0x0;
	lr =	simm.s32 $0x1  }
0x2: {  	[smem:$0x3F9D] =	sst lr;
	_ =	strace $0xD0000000  }
0x3: {  	_ = 	snop  }
0x4: {  	_ = 	snop  }
0x5: {  	_ = 	snop  }
0x6: {  	_ = 	snop  }
0x7: {  	_ = 	snop  }
__scs_overlays_trampoline_lowered:
0x8: {  	[smem:$0x3FAC] =	sst s0  }
0x9: {  	[smem:$0x3FAD] =	sst s1  }
0xa: {  	[smem:$0x3FAE] =	sst s2  }
0xb: {  	[smem:$0x3FAF] =	sst s3  }
0xc: {  	[smem:$0x3FB0] =	sst s4  }
0xd: {  	[smem:$0x3FB1] =	sst s5  }
0xe: {  	[smem:$0x3FB2] =	sst s6  }
0xf: {  	[smem:$0x3FB3] =	sst s7  }
0x10: {  	[smem:$0x3FB4] =	sst s8  }
0x11: {  	[smem:$0x3FB5] =	sst s9;
	s0 =	simm.s32 @!p0 $0x0  }
0x12: {  	s1 =	sld [smem:$0x3F9B];
	s0 =	simm.s32 @p0 $0x1  }
0x13: {  	[smem:$0x3FB6] =	sst s0;
	s0 =	simm.s32 @!p1 $0x0  }
0x14: {  	s2 =	sld [smem:$0x3F9A];
	s0 =	simm.s32 @p1 $0x1  }
0x15: {  	[smem:$0x3FB7] =	sst s0;
	s0 =	simm.s32 @!p2 $0x0  }
0x16: {  	s3 =	sld [smem:$0x3FDB];
	s0 =	simm.s32 @p2 $0x1  }
0x17: {  	s4 =	simm.s32 $0x1BF5;
	[smem:$0x3FB9] =	sst s0  }
0x18: {  	s0 =	sld [smem:$0x3F9C];
	_ =	swait.ge [sflag:s4], $0x0  }
0x19: {  	s7 =	sld [smem:$0x3F9D]  }
0x1a: {  	s8 =	sadd.s32 $0xFFFFE003, lr  }
0x1b: {  	s9 =	sadd.s32 $0xFFFFFEF7, lr;
	s5 =	simm.s32 $0xFFFFFFFF;
	p2 =	slt.u32 s8, $0xFFFFF086  }
0x1c: {  	p1 =	slt.u32 s9, $0xF7A;
	s5 =	simm.s32 @!p2 $0x0  }
0x1d: {  	s5 =	simm.s32 @p1 $0x1;
	p0 =	seq.s32 s7, s2  }
0x1e: {  	s7 =	smul.u32 @!p0 $0xF7A, s2;
	p2 =	seq.s32 @!p0 s5, $0x0  }
0x1f: {  	s9 =	smul.u32 $0xF7A, s1;
	s8 =	simm.s32 @!p0 $0x1BF5;
	p2 =	por !p2, p0  }
0x20: {  	[sflag:s8] =	ssyncset.s32 @!p0 $0xFFFFF086;
	s6 =	sadd.s32 @!p0 s3, s7;
	s7 =	simm.s32 @!p0 $0x108  }
0x21: {  	s3 =	sadd.s32 s3, s9;
	s6 =	sadd.s32 @!p0 $0x88, s6;
	s7 =	simm.s32 @p2 $0x1082  }
0x22: {  	[simem:s7], [sflag:s8] =	dma.local @!p0 [hbm:s6], $0xF7A  }
0x23: {  	s9 =	sor.u32 $0xD0000000, s2;
	s6 =	simm.s32 $0x108;
	_ =	swait.ge @!p0 [sflag:s8], $0x0  }
0x24: {  	s3 =	sadd.s32 $0x88, s3;
	s6 =	simm.s32 @!p1 $0x1082;
	[sflag:s4] =	ssyncset.s32 $0xFFFFF086  }
0x25: {  	[simem:s6], [sflag:s4] =	dma.local [hbm:s3], $0xF7A  }
0x26: {  	[smem:$0x3F9D] =	sst s1;
	(tag) =	ssettag s2;
	_ =	strace s9  }
0x27: {  	s1 =	sld [smem:$0x3FAD]  }
0x28: {  	s2 =	sld [smem:$0x3FAE]  }
0x29: {  	s4 =	sld [smem:$0x3FB0]  }
0x2a: {  	p0 =	seq.s32 s5, $0x0;
	s5 =	sld [smem:$0x3FB1]  }
0x2b: {  	s6 =	sld [smem:$0x3FB2]  }
0x2c: {  	s7 =	sld [smem:$0x3FB3]  }
0x2d: {  	s3 =	simm.s32 $0x108;
	s8 =	sld [smem:$0x3FB4]  }
0x2e: {  	s3 =	simm.s32 @!p0 $0x1082;
	s9 =	sld [smem:$0x3FB5]  }
0x2f: {  	lr =	sadd.s32 s0, s3;
	s0 =	sld [smem:$0x3FAC]  }
0x30: {  	s3 =	sld [smem:$0x3FAF]  }
0x31: {  	[smem:$0x3FB8] =	sst s10  }
0x32: {  	s10 =	sld [smem:$0x3FB6];
	_ =	sdelay $0x3  }
0x33: {  	p0 =	seq.s32 s10, $0x1;
	s10 =	sld [smem:$0x3FB8];
	_ =	sdelay $0x3  }
0x34: {  	[smem:$0x3FB8] =	sst s10  }
0x35: {  	s10 =	sld [smem:$0x3FB7];
	_ =	sdelay $0x3  }
0x36: {  	p1 =	seq.s32 s10, $0x1;
	s10 =	sld [smem:$0x3FB8];
	_ =	sdelay $0x3  }
0x37: {  	[smem:$0x3FB8] =	sst s10  }
0x38: {  	s10 =	sld [smem:$0x3FB9]  }
0x39: {  	_ = 	snop;
	(pc) =	sbr.ind lr, $3  }
0x3a: {  	_ = 	snop  }
0x3b: {  	_ = 	snop  }
0x3c: {  	p2 =	seq.s32 s10, $0x1;
	s10 =	sld [smem:$0x3FB8]  }
0x3d: {  	_ =	shalt  }
0x3e: {  	_ =	shalt  }
0x3f: {  	_ =	shalt  }
0x40: {  	_ =	shalt  }
0x41: {  	_ =	shalt  }
0x42: {  	_ =	shalt  }
0x43: {  	_ =	shalt  }
0x44: {  	_ =	shalt  }
0x45: {  	_ =	shalt  }
0x46: {  	_ =	shalt  }
0x47: {  	_ =	shalt  }
0x48: {  	_ =	shalt  }
0x49: {  	_ =	shalt  }
0x4a: {  	_ =	shalt  }
0x4b: {  	_ =	shalt  }
0x4c: {  	_ =	shalt  }
0x4d: {  	_ =	shalt  }
0x4e: {  	_ =	shalt  }
0x4f: {  	_ =	shalt  }
0x50: {  	_ =	shalt  }
0x51: {  	_ =	shalt  }
0x52: {  	_ =	shalt  }
0x53: {  	_ =	shalt  }
0x54: {  	_ =	shalt  }
0x55: {  	_ =	shalt  }
0x56: {  	_ =	shalt  }
0x57: {  	_ =	shalt  }
0x58: {  	_ =	shalt  }
0x59: {  	_ =	shalt  }
0x5a: {  	_ =	shalt  }
0x5b: {  	_ =	shalt  }
0x5c: {  	_ =	shalt  }
0x5d: {  	_ =	shalt  }
0x5e: {  	_ =	shalt  }
0x5f: {  	_ =	shalt  }
0x60: {  	_ =	shalt  }
0x61: {  	_ =	shalt  }
0x62: {  	_ =	shalt  }
0x63: {  	_ =	shalt  }
0x64: {  	_ =	shalt  }
0x65: {  	_ =	shalt  }
0x66: {  	_ =	shalt  }
0x67: {  	_ =	shalt  }
0x68: {  	_ =	shalt  }
0x69: {  	_ =	shalt  }
0x6a: {  	_ =	shalt  }
0x6b: {  	_ =	shalt  }
0x6c: {  	_ =	shalt  }
0x6d: {  	_ =	shalt  }
0x6e: {  	_ =	shalt  }
0x6f: {  	_ =	shalt  }
0x70: {  	_ =	shalt  }
0x71: {  	_ =	shalt  }
0x72: {  	_ =	shalt  }
0x73: {  	_ =	shalt  }
0x74: {  	_ =	shalt  }
0x75: {  	_ =	shalt  }
0x76: {  	_ =	shalt  }
0x77: {  	_ =	shalt  }
0x78: {  	_ =	shalt  }
0x79: {  	_ =	shalt  }
0x7a: {  	_ =	shalt  }
0x7b: {  	_ =	shalt  }
0x7c: {  	_ =	shalt  }
0x7d: {  	_ =	shalt  }
0x7e: {  	_ =	shalt  }
0x7f: {  	_ =	shalt  }
0x80: {  	_ =	shalt  }
0x81: {  	_ =	shalt  }
0x82: {  	_ =	shalt  }
0x83: {  	_ =	shalt  }
0x84: {  	_ =	shalt  }
0x85: {  	_ =	shalt  }
0x86: {  	_ =	shalt  }
0x87: {  	_ =	shalt  }
.Lfunc_end0:
.L_simem_size_0:
called_computation_lowered:
.L_overlay_start_0:
0x88: {  	s2 =	sld [smem:$0x3FD9]  }
0x89: {  	s3 =	sld [smem:$0x3FFE];
	_ =	sdelay $0x1  }
0x8a: {  	s1 =	srdreg.scid  }
0x8b: {  	s0 =	sand.u32 $0x1, s1  }
0x8c: {  	s17 =	sshll.u32 s0, $0xA;
	s2 =	sadd.s32 s3, s2  }
0x8d: {  	s2 =	sadd.s32 s2, s17  }
0x8e: {  	[smem:$0x3FC4] =	sst s2  }
0x8f: {  	_ = 	snop  }
0x90: {  	s2 =	sld [smem:$0x3FD0];
	(tm) =	ssettm $0x1  }
0x91: {  	s18 =	sld [smem:$0x3FFB];
	_ =	sdelay $0x3  }
0x92: {  	_ =	strace s18  }
0x93: {  	s3 =	sld [smem:$0x3FFC];
	_ =	sdelay $0x3  }
0x94: {  	_ =	strace s3  }
0x95: {  	s3 =	sld [smem:$0x3FFD];
	_ =	sdelay $0x3  }
0x96: {  	_ =	strace s3  }
0x97: {  	_ =	strace $0x8FFFFFFF  }
0x98: {  	s19 =	sld [smem:$0x3FDB];
	_ =	sdelay $0x1  }
0x99: {  	s4 =	simm.s32 $_scs_section_size  }
0x9a: {  	s5 =	simm.s32 $_size__tile_overlayer_lowered;
	s6 =	simm.s32 $_tile_overlayer_lowered  }
0x9b: {  	s22 =	simm.s32 $0x1BFF;
	s21 =	sshll.u32 s6, $0x1;
	s3 =	sadd.s32 s4, s19  }
0x9c: {  	s7 =	simm.s32 $0x0;
	s20 =	sshll.u32 s5, $0x1;
	s5 =	sadd.s32 s21, s3  }
0x9d: {  	[timem:s7], [sflag:s22] =	dma.local [hbm:s5], s20  }
0x9e: {  	_ =	swait.ge [sflag:s22], s20  }
0x9f: {  	s4 =	ssub.s32 $0x0, s20;
	[sflag:s22] =	ssyncset.done $0x0  }
0xa0: {  	[sflag:s22] =	ssyncadd.s32 s4;
	_ =	sdelay $0x1  }
0xa1: {  	s23 =	simm.s32 $0x1B8B  }
0xa2: {  	_ =	swait.ge [sflag:s23], $0x1  }
0xa3: {  	[sflag:s23] =	ssyncset.done $0x0  }
0xa4: {  	s25 =	simm.s32 $0x1B8E;
	s24 =	sld [smem:$0x3FFE];
	[sflag:s23] =	ssyncadd.s32 $0xFFFFFFFF  }
0xa5: {  	s26 =	simm.s32 $execute0_lowered;
	[smem:$0x3FD2] =	sst s25  }
0xa6: {  	s5 =	sshll.u32 s26, $0x1;
	_ =	strace $0x80000046;
	[dreg:$0x1] =	wrdreg $0xFFFFFFFF  }
0xa7: {  	s28 =	simm.s32 $_size_execute0_lowered;
	s3 =	sadd.s32 s3, s5;
	[dreg:$0x0] =	wrdreg $0x0  }
0xa8: {  	s5 =	sshll.u32 s28, $0x1;
	[dreg:$0x2] =	wrdreg s3  }
0xa9: {  	[dreg:$0x3] =	wrdreg s5  }
0xaa: {  	[dreg:$0x4] =	wrdreg $0xC0  }
0xab: {  	_ =	task [dreg:s7], $0x5FFFF  }
0xac: {  	[dreg:$0x1] =	wrdreg $0xFFFFFFFF  }
0xad: {  	[dreg:$0x0] =	wrdreg $0x60  }
0xae: {  	[dreg:$0x2] =	wrdreg s24  }
0xaf: {  	[dreg:$0x3] =	wrdreg s2  }
0xb0: {  	[dreg:$0x4] =	wrdreg $0x9  }
0xb1: {  	_ =	task.clear_ibuf [dreg:s7], $0x5FFFF;
	_ =	strace $0x90000046  }
0xb2: {  	s29 =	simm.s32 $0x9;
	_ =	strace $0x80000048  }
0xb3: {  	_ =	swait.ge [sflag:s29], $0x1  }
0xb4: {  	[sflag:s29] =	ssyncadd.s32 $0xFFFFFFFF  }
0xb5: {  	_ =	strace $0x90000048  }
0xb6: {  	_ =	sfence  }
0xb7: {  	s30 =	sld [smem:$0x0];
	_ =	sdelay $0x2  }
0xb8: {  	s31 =	sshll.u32 s1, $0xD;
	s1 =	sshrl.u32 s1, $0x2  }
0xb9: {  	s3 =	sand.u32 $0x4000, s31;
	s1 =	sadd.s32 s1, s30  }
0xba: {  	s0 =	sor.u32 s3, s0;
	s1 =	sshll.u32 s1, $0x11  }
0xbb: {  	s0 =	sor.u32 s1, s0  }
0xbc: {  	s0 =	sadd.s32 $0x8F2B, s0  }
0xbd: {  	[sflag:s0] =	ssyncadd.remote.s32 $0x1  }
0xbe: {  	_ =	sfence.sel $0xFFFF  }
0xbf: {  	[dreg:$0x0] =	wrdreg $0xFFFFFFFF;
	(pc) =	sbr.abs _section_cstart, $3  }
0xc0: {  	[dreg:$0x1] =	wrdreg $0xFFFFFFFF  }
0xc1: {  	_ =	task.clear_ibuf [dreg:s7], $0x2FFFF;
	_ =	strace $0x9FFFFFFF  }
0xc2: {  	(tm) =	ssettm $0x7FFFFFFF  }
0xc3: {  	_ =	shalt  }
tec
execute0_lowered:
.L_overlay_start_1:
0x0: {  	(tag) =	ssettag $0x1  }
0x1: {  	s0 =	srdreg.scid  }
0x2: {  	s3 =	sand.u32 $0x1, s0  }
0x3: {  	s4 =	rddreg [dreg:$0x0];
	s0 =	stileid.u32;
	s1 =	sshll.u32 s3, $0x4  }
0x4: {  	s6 =	rddreg [dreg:$0x1];
	s1 =	sor.u32 s0, s1  }
0x5: {  	s2 =	simm.s32 $0x0;
	s9 =	simm.s32 $0x2780;
	s5 =	sshrl.u32 s1, $0x3  }
0x6: {  	[smem:$0x7FF] =	sst s2;
	s7 =	sshll.u32 s0, $0x7;
	s8 =	smul.u32 $0x13C00, s5  }
0x7: {  	s3 =	ssub.s32 $0x2, s3;
	s7 =	sand.u32 $0x380, s7;
	s5 =	smul.u32 $0x14000, s5  }
0x8: {  	s29 =	sshrl.u32 s3, $0x1;
	s1 =	rddreg [dreg:$0x2];
	_ =	strace $0x80000047  }
0x9: {  	s30 =	ssub.s32 s3, s29;
	s8 =	sor.u32 s7, s8;
	s5 =	sor.u32 s7, s5  }
0xa: {  	s7 =	simm.s32 $0x400;
	s8 =	sshrl.u32 s8, $0x3;
	s31 =	sshrl.u32 s5, $0x3  }
0xb: {  	s5 =	smax.u32 s30, $0x1;
	s4 =	sadd.s32 s8, s4;
	s8 =	simm.s32 $0x1  }
0xc: {  	v0 =	vimm.f32 $0.0e+00;
	v1 =	vimm.f32 $1.000000000e+00;
	s3 =	sadd.s32 $0x1A00, s4;
	s4 =	sadd.s32 s6, s31;
	s6 =	simm.s32 $0x80  }
.LBB2_1:
0xd: {  	s10 =	simm.s32 $0x40;
	s11 =	simm.s32 $0x0  }
.LBB2_2:
0xe: {  	p0 =	sne.s32 s10, $0x9FC0;
	[tilespmem:s11+$0x2780] =	vst v0;
	s11 =	smov.u32 s10;
	s10 =	sadd.s32 $0x40, s10  }
.Ltmp0:
0xf: {  	(pc) =	sbr.rel @p0 .LBB2_2-.Ltmp0, $2  }
0x10: {  	_ =	sdelay $0x2  }
0x11: {  	s11 =	sshra.s32 s11, $0x2  }
0x12: {  	[tilespmem:s11+$0x2780] =	vst v0;
	s10 =	simm.s32 $0x0  }
0x13: {  	[tilespmem:s10], [sflag:$0x1] =	stream.strided.gather [hbm4b:s3+s6], $0x2780, s7, s6, $0x38;
	[tilespmem:$0x4F80] =	vst v63  }
0x14: {  	_ =	swait.ge [sflag:s8], $0x2780  }
0x15: {  	[sflag:s8] =	ssyncset.done $0x0  }
0x16: {  	s11 =	simm.s32 $0x0;
	s10 =	simm.s32 $0x40;
	[sflag:s8] =	ssyncadd.s32 $0xFFFFD880  }
.LBB2_4:
0x17: {  	p0 =	sne.s32 s10, $0x9C00;
	v2 =	vld [tilespmem:s11+$0x0];
	_ =	sdelay $0x3  }
.Ltmp1:
0x18: {  	(pc) =	sbr.rel @p0 .LBB2_4-.Ltmp1, $2  }
0x19: {  	_ =	sdelay $0x2  }
0x1a: {  	s11 =	sshra.s32 s10, $0x2;
	s10 =	sadd.s32 $0x40, s10;
	[tilespmem:v2+s9+$0x0] =	vst.idx.add.f32.msk $0xffff, v1  }
0x1b: {  	v2 =	vld [tilespmem:s11+$0x0];
	_ =	sdelay $0x5  }
0x1c: {  	s2 =	sadd.s32 $0x1, s2  }
0x1d: {  	p0 =	sne.s32 s2, s5  }
.Ltmp2:
0x1e: {  	[tilespmem:v2+s9+$0x0] =	vst.idx.add.f32.msk $0xffff, v1;
	(pc) =	sbr.rel @p0 .LBB2_1-.Ltmp2, $4  }
0x1f: {  	[hbm4b:s4+s6] =	stream.strided.scatter [tilespmem:s9], [sflag:$0x1], $0x2800, s7, s6, $0x38;
	[tilespmem:$0x4F80] =	vst v63  }
0x20: {  	_ =	swait.ge [sflag:s8], $0x2800  }
0x21: {  	[sflag:s8] =	ssyncset.done $0x0  }
0x22: {  	[sflag:s8] =	ssyncadd.s32 $0xFFFFD800  }
0x23: {  	_ =	sfence.sel $0x180000  }
0x24: {  	[bflag:$0x0] =	sbarrier.arrive $0xFFFF  }
0x25: {  	p0 =	sne.s32 s0, $0x0;
	_ =	strace $0x90000047  }
0x26: {  	s0 =	sadd.s32 @!p0 $0x100000, s1;
	[bflag:$0x2] =	sbarrier.arrive $0xFFFF  }
0x27: {  	[sflag:s0] =	ssyncadd.tile.s32 @!p0 $0x1;
	_ =	shalt  }
.Lfunc_end2:
_tile_overlayer_lowered:
.L_overlay_start_2:
0x28: {  	(tag) =	ssettag $0x2  }
0x29: {  	s0 =	rddreg [dreg:$0x0];
	s2 =	stileid.u32  }
0x2a: {  	s1 =	rddreg [dreg:$0x1];
	p0 =	sne.s32 s2, $0x0  }
0x2b: {  	s3 =	rddreg [dreg:$0x2];
	[bflag:$0x3] =	sbarrier.arrive $0xFFFF;
	s2 =	simm.s32 @!p0 $0x1C01  }
0x2c: {  	[timem:s3], [sflag:s2] =	dma.local @!p0 [hbm:s0], s1  }
0x2d: {  	s0 =	simm.s32 @!p0 $0x1  }
0x2e: {  	_ =	swait.ge @!p0 [sflag:s0], s1  }
0x2f: {  	s1 =	ssub.s32 @!p0 $0x0, s1;
	[sflag:s0] =	ssyncset.done @!p0 $0x0  }
0x30: {  	[sflag:s0] =	ssyncadd.s32 @!p0 s1  }
0x31: {  	[bflag:$0x3] =	sbarrier.arrive $0xFFFF  }
0x32: {  	_ =	shalt  }

// kernel: kernel.9.cloned.1.call-start
scs
__scs_entry_jumppad:
0x0: {  	(pc) =	sbr.rel $0x88, $3  }
0x1: {  	(tag) =	ssettag $0x0;
	lr =	simm.s32 $0x1  }
0x2: {  	[smem:$0x3F9D] =	sst lr;
	_ =	strace $0xD0000000  }
0x3: {  	_ = 	snop  }
0x4: {  	_ = 	snop  }
0x5: {  	_ = 	snop  }
0x6: {  	_ = 	snop  }
0x7: {  	_ = 	snop  }
__scs_overlays_trampoline_lowered:
0x8: {  	[smem:$0x3FAC] =	sst s0  }
0x9: {  	[smem:$0x3FAD] =	sst s1  }
0xa: {  	[smem:$0x3FAE] =	sst s2  }
0xb: {  	[smem:$0x3FAF] =	sst s3  }
0xc: {  	[smem:$0x3FB0] =	sst s4  }
0xd: {  	[smem:$0x3FB1] =	sst s5  }
0xe: {  	[smem:$0x3FB2] =	sst s6  }
0xf: {  	[smem:$0x3FB3] =	sst s7  }
0x10: {  	[smem:$0x3FB4] =	sst s8  }
0x11: {  	[smem:$0x3FB5] =	sst s9;
	s0 =	simm.s32 @!p0 $0x0  }
0x12: {  	s1 =	sld [smem:$0x3F9B];
	s0 =	simm.s32 @p0 $0x1  }
0x13: {  	[smem:$0x3FB6] =	sst s0;
	s0 =	simm.s32 @!p1 $0x0  }
0x14: {  	s2 =	sld [smem:$0x3F9A];
	s0 =	simm.s32 @p1 $0x1  }
0x15: {  	[smem:$0x3FB7] =	sst s0;
	s0 =	simm.s32 @!p2 $0x0  }
0x16: {  	s3 =	sld [smem:$0x3FDB];
	s0 =	simm.s32 @p2 $0x1  }
0x17: {  	s4 =	simm.s32 $0x1BF5;
	[smem:$0x3FB9] =	sst s0  }
0x18: {  	s0 =	sld [smem:$0x3F9C];
	_ =	swait.ge [sflag:s4], $0x0  }
0x19: {  	s7 =	sld [smem:$0x3F9D]  }
0x1a: {  	s8 =	sadd.s32 $0xFFFFE003, lr  }
0x1b: {  	s9 =	sadd.s32 $0xFFFFFEF7, lr;
	s5 =	simm.s32 $0xFFFFFFFF;
	p2 =	slt.u32 s8, $0xFFFFF086  }
0x1c: {  	p1 =	slt.u32 s9, $0xF7A;
	s5 =	simm.s32 @!p2 $0x0  }
0x1d: {  	s5 =	simm.s32 @p1 $0x1;
	p0 =	seq.s32 s7, s2  }
0x1e: {  	s7 =	smul.u32 @!p0 $0xF7A, s2;
	p2 =	seq.s32 @!p0 s5, $0x0  }
0x1f: {  	s9 =	smul.u32 $0xF7A, s1;
	s8 =	simm.s32 @!p0 $0x1BF5;
	p2 =	por !p2, p0  }
0x20: {  	[sflag:s8] =	ssyncset.s32 @!p0 $0xFFFFF086;
	s6 =	sadd.s32 @!p0 s3, s7;
	s7 =	simm.s32 @!p0 $0x108  }
0x21: {  	s3 =	sadd.s32 s3, s9;
	s6 =	sadd.s32 @!p0 $0x88, s6;
	s7 =	simm.s32 @p2 $0x1082  }
0x22: {  	[simem:s7], [sflag:s8] =	dma.local @!p0 [hbm:s6], $0xF7A  }
0x23: {  	s9 =	sor.u32 $0xD0000000, s2;
	s6 =	simm.s32 $0x108;
	_ =	swait.ge @!p0 [sflag:s8], $0x0  }
0x24: {  	s3 =	sadd.s32 $0x88, s3;
	s6 =	simm.s32 @!p1 $0x1082;
	[sflag:s4] =	ssyncset.s32 $0xFFFFF086  }
0x25: {  	[simem:s6], [sflag:s4] =	dma.local [hbm:s3], $0xF7A  }
0x26: {  	[smem:$0x3F9D] =	sst s1;
	(tag) =	ssettag s2;
	_ =	strace s9  }
0x27: {  	s1 =	sld [smem:$0x3FAD]  }
0x28: {  	s2 =	sld [smem:$0x3FAE]  }
0x29: {  	s4 =	sld [smem:$0x3FB0]  }
0x2a: {  	p0 =	seq.s32 s5, $0x0;
	s5 =	sld [smem:$0x3FB1]  }
0x2b: {  	s6 =	sld [smem:$0x3FB2]  }
0x2c: {  	s7 =	sld [smem:$0x3FB3]  }
0x2d: {  	s3 =	simm.s32 $0x108;
	s8 =	sld [smem:$0x3FB4]  }
0x2e: {  	s3 =	simm.s32 @!p0 $0x1082;
	s9 =	sld [smem:$0x3FB5]  }
0x2f: {  	lr =	sadd.s32 s0, s3;
	s0 =	sld [smem:$0x3FAC]  }
0x30: {  	s3 =	sld [smem:$0x3FAF]  }
0x31: {  	[smem:$0x3FB8] =	sst s10  }
0x32: {  	s10 =	sld [smem:$0x3FB6];
	_ =	sdelay $0x3  }
0x33: {  	p0 =	seq.s32 s10, $0x1;
	s10 =	sld [smem:$0x3FB8];
	_ =	sdelay $0x3  }
0x34: {  	[smem:$0x3FB8] =	sst s10  }
0x35: {  	s10 =	sld [smem:$0x3FB7];
	_ =	sdelay $0x3  }
0x36: {  	p1 =	seq.s32 s10, $0x1;
	s10 =	sld [smem:$0x3FB8];
	_ =	sdelay $0x3  }
0x37: {  	[smem:$0x3FB8] =	sst s10  }
0x38: {  	s10 =	sld [smem:$0x3FB9]  }
0x39: {  	_ = 	snop;
	(pc) =	sbr.ind lr, $3  }
0x3a: {  	_ = 	snop  }
0x3b: {  	_ = 	snop  }
0x3c: {  	p2 =	seq.s32 s10, $0x1;
	s10 =	sld [smem:$0x3FB8]  }
0x3d: {  	_ =	shalt  }
0x3e: {  	_ =	shalt  }
0x3f: {  	_ =	shalt  }
0x40: {  	_ =	shalt  }
0x41: {  	_ =	shalt  }
0x42: {  	_ =	shalt  }
0x43: {  	_ =	shalt  }
0x44: {  	_ =	shalt  }
0x45: {  	_ =	shalt  }
0x46: {  	_ =	shalt  }
0x47: {  	_ =	shalt  }
0x48: {  	_ =	shalt  }
0x49: {  	_ =	shalt  }
0x4a: {  	_ =	shalt  }
0x4b: {  	_ =	shalt  }
0x4c: {  	_ =	shalt  }
0x4d: {  	_ =	shalt  }
0x4e: {  	_ =	shalt  }
0x4f: {  	_ =	shalt  }
0x50: {  	_ =	shalt  }
0x51: {  	_ =	shalt  }
0x52: {  	_ =	shalt  }
0x53: {  	_ =	shalt  }
0x54: {  	_ =	shalt  }
0x55: {  	_ =	shalt  }
0x56: {  	_ =	shalt  }
0x57: {  	_ =	shalt  }
0x58: {  	_ =	shalt  }
0x59: {  	_ =	shalt  }
0x5a: {  	_ =	shalt  }
0x5b: {  	_ =	shalt  }
0x5c: {  	_ =	shalt  }
0x5d: {  	_ =	shalt  }
0x5e: {  	_ =	shalt  }
0x5f: {  	_ =	shalt  }
0x60: {  	_ =	shalt  }
0x61: {  	_ =	shalt  }
0x62: {  	_ =	shalt  }
0x63: {  	_ =	shalt  }
0x64: {  	_ =	shalt  }
0x65: {  	_ =	shalt  }
0x66: {  	_ =	shalt  }
0x67: {  	_ =	shalt  }
0x68: {  	_ =	shalt  }
0x69: {  	_ =	shalt  }
0x6a: {  	_ =	shalt  }
0x6b: {  	_ =	shalt  }
0x6c: {  	_ =	shalt  }
0x6d: {  	_ =	shalt  }
0x6e: {  	_ =	shalt  }
0x6f: {  	_ =	shalt  }
0x70: {  	_ =	shalt  }
0x71: {  	_ =	shalt  }
0x72: {  	_ =	shalt  }
0x73: {  	_ =	shalt  }
0x74: {  	_ =	shalt  }
0x75: {  	_ =	shalt  }
0x76: {  	_ =	shalt  }
0x77: {  	_ =	shalt  }
0x78: {  	_ =	shalt  }
0x79: {  	_ =	shalt  }
0x7a: {  	_ =	shalt  }
0x7b: {  	_ =	shalt  }
0x7c: {  	_ =	shalt  }
0x7d: {  	_ =	shalt  }
0x7e: {  	_ =	shalt  }
0x7f: {  	_ =	shalt  }
0x80: {  	_ =	shalt  }
0x81: {  	_ =	shalt  }
0x82: {  	_ =	shalt  }
0x83: {  	_ =	shalt  }
0x84: {  	_ =	shalt  }
0x85: {  	_ =	shalt  }
0x86: {  	_ =	shalt  }
0x87: {  	_ =	shalt  }
.Lfunc_end0:
.L_simem_size_0:
called_computation.1_lowered:
.L_overlay_start_0:
0x88: {  	s2 =	sld [smem:$0x3FD9]  }
0x89: {  	s3 =	sld [smem:$0x3FFE];
	_ =	sdelay $0x1  }
0x8a: {  	s1 =	srdreg.scid  }
0x8b: {  	s0 =	sand.u32 $0x1, s1  }
0x8c: {  	s17 =	sshll.u32 s0, $0xA;
	s2 =	sadd.s32 s3, s2  }
0x8d: {  	s2 =	sadd.s32 s2, s17  }
0x8e: {  	[smem:$0x3FC4] =	sst s2  }
0x8f: {  	_ = 	snop  }
0x90: {  	s2 =	sld [smem:$0x3FD0];
	(tm) =	ssettm $0x1  }
0x91: {  	s18 =	sld [smem:$0x3FFB];
	_ =	sdelay $0x3  }
0x92: {  	_ =	strace s18  }
0x93: {  	s3 =	sld [smem:$0x3FFC];
	_ =	sdelay $0x3  }
0x94: {  	_ =	strace s3  }
0x95: {  	s3 =	sld [smem:$0x3FFD];
	_ =	sdelay $0x3  }
0x96: {  	_ =	strace s3  }
0x97: {  	_ =	strace $0x8FFFFFFF  }
0x98: {  	s19 =	sld [smem:$0x3FDB];
	_ =	sdelay $0x1  }
0x99: {  	s4 =	simm.s32 $_scs_section_size  }
0x9a: {  	s5 =	simm.s32 $_size__tile_overlayer_lowered;
	s6 =	simm.s32 $_tile_overlayer_lowered  }
0x9b: {  	s22 =	simm.s32 $0x1BFF;
	s21 =	sshll.u32 s6, $0x1;
	s3 =	sadd.s32 s4, s19  }
0x9c: {  	s7 =	simm.s32 $0x0;
	s20 =	sshll.u32 s5, $0x1;
	s5 =	sadd.s32 s21, s3  }
0x9d: {  	[timem:s7], [sflag:s22] =	dma.local [hbm:s5], s20  }
0x9e: {  	_ =	swait.ge [sflag:s22], s20  }
0x9f: {  	s4 =	ssub.s32 $0x0, s20;
	[sflag:s22] =	ssyncset.done $0x0  }
0xa0: {  	[sflag:s22] =	ssyncadd.s32 s4;
	_ =	sdelay $0x1  }
0xa1: {  	s23 =	simm.s32 $0x1B8B  }
0xa2: {  	_ =	swait.ge [sflag:s23], $0x1  }
0xa3: {  	[sflag:s23] =	ssyncset.done $0x0  }
0xa4: {  	s25 =	simm.s32 $0x1B8E;
	s24 =	sld [smem:$0x3FFE];
	[sflag:s23] =	ssyncadd.s32 $0xFFFFFFFF  }
0xa5: {  	s26 =	simm.s32 $execute0_lowered;
	[smem:$0x3FD2] =	sst s25  }
0xa6: {  	s5 =	sshll.u32 s26, $0x1;
	_ =	strace $0x80000049;
	[dreg:$0x1] =	wrdreg $0xFFFFFFFF  }
0xa7: {  	s28 =	simm.s32 $_size_execute0_lowered;
	s3 =	sadd.s32 s3, s5;
	[dreg:$0x0] =	wrdreg $0x0  }
0xa8: {  	s5 =	sshll.u32 s28, $0x1;
	[dreg:$0x2] =	wrdreg s3  }
0xa9: {  	[dreg:$0x3] =	wrdreg s5  }
0xaa: {  	[dreg:$0x4] =	wrdreg $0xC0  }
0xab: {  	_ =	task [dreg:s7], $0x5FFFF  }
0xac: {  	[dreg:$0x1] =	wrdreg $0xFFFFFFFF  }
0xad: {  	[dreg:$0x0] =	wrdreg $0x60  }
0xae: {  	[dreg:$0x2] =	wrdreg s2  }
0xaf: {  	[dreg:$0x3] =	wrdreg s24  }
0xb0: {  	[dreg:$0x4] =	wrdreg $0x8C000  }
0xb1: {  	[dreg:$0x5] =	wrdreg $0x9  }
0xb2: {  	_ =	task.clear_ibuf [dreg:s7], $0x6FFFF;
	_ =	strace $0x90000049  }
0xb3: {  	s29 =	simm.s32 $0x9;
	_ =	strace $0x8000004B  }
0xb4: {  	_ =	swait.ge [sflag:s29], $0x1  }
0xb5: {  	[sflag:s29] =	ssyncadd.s32 $0xFFFFFFFF  }
0xb6: {  	_ =	strace $0x9000004B  }
0xb7: {  	_ =	sfence  }
0xb8: {  	s30 =	sld [smem:$0x0];
	_ =	sdelay $0x2  }
0xb9: {  	s31 =	sshll.u32 s1, $0xD;
	s1 =	sshrl.u32 s1, $0x2  }
0xba: {  	s3 =	sand.u32 $0x4000, s31;
	s1 =	sadd.s32 s1, s30  }
0xbb: {  	s0 =	sor.u32 s3, s0;
	s1 =	sshll.u32 s1, $0x11  }
0xbc: {  	s0 =	sor.u32 s1, s0  }
0xbd: {  	s0 =	sadd.s32 $0x8F2B, s0  }
0xbe: {  	[sflag:s0] =	ssyncadd.remote.s32 $0x1  }
0xbf: {  	_ =	sfence.sel $0xFFFF  }
0xc0: {  	[dreg:$0x0] =	wrdreg $0xFFFFFFFF;
	(pc) =	sbr.abs _section_cstart, $3  }
0xc1: {  	[dreg:$0x1] =	wrdreg $0xFFFFFFFF  }
0xc2: {  	_ =	task.clear_ibuf [dreg:s7], $0x2FFFF;
	_ =	strace $0x9FFFFFFF  }
0xc3: {  	(tm) =	ssettm $0x7FFFFFFF  }
tec
execute0_lowered:
.L_overlay_start_1:
0x0: {  	(tag) =	ssettag $0x1  }
0x1: {  	s1 =	rddreg [dreg:$0x0]  }
0x2: {  	s0 =	rddreg [dreg:$0x1]  }
0x3: {  	s2 =	rddreg [dreg:$0x2]  }
0x4: {  	s3 =	srdreg.scid;
	s4 =	simm.s32 $0x0;
	s10 =	stileid.u32  }
0x5: {  	s19 =	simm.s32 $0x8400;
	s29 =	simm.s32 $0x400;
	s30 =	simm.s32 $0x4400  }
0x6: {  	s31 =	simm.s32 $0x1;
	s3 =	sand.u32 $0x1, s3;
	s7 =	smul.u32 $0x14000, s10  }
0x7: {  	[smem:$0x7FF] =	sst s4;
	s5 =	sadd.s32 $0x15800, s0;
	s9 =	smul.u32 $0x50000, s10  }
0x8: {  	s6 =	smul.u32 $0x140000, s3;
	s8 =	sshll.u32 s3, $0x4;
	s3 =	ssub.s32 $0x2, s3  }
0x9: {  	_ =	strace $0x8000004A;
	s20 =	sor.u32 s10, s8;
	s22 =	sshrl.u32 s3, $0x1  }
0xa: {  	s23 =	sshrl.u32 s9, $0x2;
	s6 =	sadd.s32 s7, s6;
	s7 =	sadd.s32 $0xB800, s0  }
0xb: {  	s3 =	ssub.s32 s3, s22;
	s8 =	sadd.s32 s23, s2;
	s22 =	simm.s32 $0x80  }
0xc: {  	s23 =	simm.s32 $0x5;
	s21 =	sshrl.u32 s6, $0x3;
	s6 =	smul.u32 $0x2800, s20  }
0xd: {  	s18 =	smax.u32 s3, $0x1;
	s20 =	simm.s32 $0x6;
	s3 =	simm.s32 $0x3  }
0xe: {  	s0 =	sadd.s32 s21, s0;
	s21 =	simm.s32 $0x4;
	s24 =	sshrl.u32 s6, $0x3  }
0xf: {  	s17 =	sadd.s32 $0x1F800, s0;
	s0 =	simm.s32 $0x2;
	s25 =	sadd.s32 s5, s24  }
.Ltmp0:
0x10: {  	s26 =	sor.u32 $0x10, s24;
	s11 =	sadd.s32 s7, s24;
	(pc) =	sbr.rel .LBB2_1-.Ltmp0, $4  }
0x11: {  	s14 =	sor.u32 $0x20, s24;
	s9 =	sor.u32 $0x30, s24;
	[dreg:$0x4] =	wrdreg s25  }
0x12: {  	[dreg:$0x5] =	wrdreg s11;
	s28 =	sadd.s32 s5, s26;
	s10 =	sadd.s32 s7, s26  }
0x13: {  	s13 =	sadd.s32 s5, s14;
	s14 =	sadd.s32 s7, s14;
	[dreg:$0x6] =	wrdreg s28  }
0x14: {  	v0 =	vimm.f32 $0.0e+00;
	s15 =	sadd.s32 s5, s9;
	s16 =	sadd.s32 s7, s9;
	[dreg:$0x7] =	wrdreg s10  }
.LBB2_10:
0x15: {  	_ =	swait.ge [sflag:s0], $0x4000  }
0x16: {  	[sflag:s0] =	ssyncset.done $0x0  }
0x17: {  	s9 =	simm.s32 $0x380;
	[sflag:s0] =	ssyncadd.s32 $0xFFFFC000  }
0x18: {  	[spmem:s2] =	stream.indirect.scatter.add.f32 [tilespmem:s30], [sflag:$0x4], $0x80, s9, s22, $0xb8;
	[tilespmem:$0x1CC00] =	vst v63  }
.LBB2_8:
0x19: {  	_ =	swait.ge [sflag:s3], $0x4000  }
0x1a: {  	[sflag:s3] =	ssyncset.done $0x0  }
0x1b: {  	[sflag:s3] =	ssyncadd.s32 $0xFFFFC000  }
0x1c: {  	s9 =	stileid.u32;
	_ =	swait.ge [sflag:s21], $0x4000  }
0x1d: {  	s10 =	sshrl.u32 s8, $0x3;
	s4 =	sadd.s32 $0x1, s4;
	[sflag:s21] =	ssyncset.done $0x0  }
0x1e: {  	s9 =	sshll.u32 s9, $0x6;
	p0 =	sne.s32 s4, s18;
	[sflag:s21] =	ssyncadd.s32 $0xFFFFC000  }
.Ltmp1:
0x1f: {  	s9 =	sor.u32 $0x1C06, s9;
	[bflag:$0x0] =	sbarrier.arrive $0xFFFF;
	(pc) =	sbr.rel @!p0 .LBB2_9-.Ltmp1, $4  }
0x20: {  	[hbm:s17], [sflag:s9] =	dma.local [spmem:s10], $0x2800  }
0x21: {  	_ =	swait.ge [sflag:s20], $0x2800  }
0x22: {  	[sflag:s20] =	ssyncset.done $0x0  }
0x23: {  	[sflag:s20] =	ssyncadd.s32 $0xFFFFD800  }
.LBB2_1:
0x24: {  	s9 =	simm.s32 $0x0;
	s24 =	simm.s32 $0x200  }
.LBB2_2:
0x25: {  	p0 =	sne.s32 s24, $0x1E00;
	[tilespmem:s9+$0x8470] =	vst v0  }
0x26: {  	[tilespmem:s9+$0x8400] =	vst v0  }
0x27: {  	[tilespmem:s9+$0x8410] =	vst v0  }
.Ltmp2:
0x28: {  	[tilespmem:s9+$0x8420] =	vst v0;
	(pc) =	sbr.rel @p0 .LBB2_2-.Ltmp2, $4  }
0x29: {  	[tilespmem:s9+$0x8430] =	vst v0  }
0x2a: {  	[tilespmem:s9+$0x8440] =	vst v0  }
0x2b: {  	[tilespmem:s9+$0x8450] =	vst v0  }
0x2c: {  	[tilespmem:s9+$0x8460] =	vst v0;
	s9 =	sshra.s32 s24, $0x2;
	s24 =	sadd.s32 $0x200, s24  }
0x2d: {  	[tilespmem:s9+$0x8470] =	vst v0  }
0x2e: {  	[tilespmem:s9+$0x8400] =	vst v0  }
0x2f: {  	[tilespmem:s9+$0x8410] =	vst v0  }
0x30: {  	[tilespmem:s9+$0x8420] =	vst v0  }
0x31: {  	[tilespmem:s9+$0x8430] =	vst v0  }
0x32: {  	[tilespmem:s9+$0x8440] =	vst v0  }
0x33: {  	[tilespmem:s9+$0x8450] =	vst v0  }
0x34: {  	[tilespmem:s9+$0x8460] =	vst v0;
	s28 =	sadd.s32 $0x0, s8  }
0x35: {  	[spmem:s28] =	stream.linear.scatter [tilespmem:s19], [sflag:$0x6], $0x800, $0x38;
	[tilespmem:$0x1CC00] =	vst v63  }
0x36: {  	s9 =	simm.s32 $0x2000;
	_ =	swait.ge [sflag:s20], $0x800  }
.LBB2_4:
0x37: {  	s10 =	sshra.s32 s9, $0x2;
	[sflag:s20] =	ssyncset.done $0x0;
	p0 =	sne.s32 s9, $0x4E000  }
.Ltmp3:
0x38: {  	s10 =	sadd.s32 s10, s8;
	[sflag:s20] =	ssyncadd.s32 $0xFFFFF800;
	(pc) =	sbr.rel @p0 .LBB2_4-.Ltmp3, $3  }
0x39: {  	[spmem:s10] =	stream.linear.scatter [tilespmem:s19], [sflag:$0x6], $0x800, $0x38;
	[tilespmem:$0x1CC00] =	vst v63  }
0x3a: {  	s9 =	sadd.s32 $0x2000, s9;
	_ =	sdelay $0x1  }
0x3b: {  	_ =	swait.ge [sflag:s20], $0x800  }
0x3c: {  	[sflag:s20] =	ssyncset.done $0x0  }
0x3d: {  	[sflag:s20] =	ssyncadd.s32 $0xFFFFF800  }
0x3e: {  	[bflag:$0x0] =	sbarrier.arrive $0xFFFF  }
0x3f: {  	s24 =	simm.s32 $0x0;
	s9 =	rddreg [dreg:$0x4]  }
0x40: {  	[tilespmem:s24], [sflag:$0x6] =	stream.linear.gather [hbm4b:s9+s24], $0x80, $0x38;
	[tilespmem:$0x1CC00] =	vst v63  }
0x41: {  	_ =	swait.ge [sflag:s20], $0x80  }
0x42: {  	[sflag:s20] =	ssyncset.done $0x0  }
0x43: {  	s10 =	simm.s32 $0x200;
	s26 =	rddreg [dreg:$0x5];
	[sflag:s20] =	ssyncadd.s32 $0xFFFFFF80  }
0x44: {  	[tilespmem:s10], [sflag:$0x6] =	stream.linear.gather [hbm4b:s26+s24], $0x80, $0x38;
	[tilespmem:$0x1CC00] =	vst v63  }
0x45: {  	_ =	swait.ge [sflag:s20], $0x80  }
0x46: {  	[sflag:s20] =	ssyncset.done $0x0  }
0x47: {  	s28 =	rddreg [dreg:$0x6];
	[sflag:s20] =	ssyncadd.s32 $0xFFFFFF80  }
0x48: {  	[tilespmem:s22], [sflag:$0x6] =	stream.linear.gather [hbm4b:s28+s24], $0x80, $0x38;
	[tilespmem:$0x1CC00] =	vst v63  }
0x49: {  	_ =	swait.ge [sflag:s20], $0x80  }
0x4a: {  	[sflag:s20] =	ssyncset.done $0x0  }
0x4b: {  	s11 =	simm.s32 $0x280;
	s10 =	rddreg [dreg:$0x7];
	[sflag:s20] =	ssyncadd.s32 $0xFFFFFF80  }
0x4c: {  	[tilespmem:s11], [sflag:$0x6] =	stream.linear.gather [hbm4b:s10+s24], $0x80, $0x38;
	[tilespmem:$0x1CC00] =	vst v63  }
0x4d: {  	_ =	swait.ge [sflag:s20], $0x80  }
0x4e: {  	[sflag:s20] =	ssyncset.done $0x0  }
0x4f: {  	s12 =	simm.s32 $0x100;
	[sflag:s20] =	ssyncadd.s32 $0xFFFFFF80  }
0x50: {  	[tilespmem:s12], [sflag:$0x6] =	stream.linear.gather [hbm4b:s13+s24], $0x80, $0x38;
	[tilespmem:$0x1CC00] =	vst v63  }
0x51: {  	_ =	swait.ge [sflag:s20], $0x80  }
0x52: {  	[sflag:s20] =	ssyncset.done $0x0  }
0x53: {  	s25 =	simm.s32 $0x300;
	[sflag:s20] =	ssyncadd.s32 $0xFFFFFF80  }
0x54: {  	[tilespmem:s25], [sflag:$0x6] =	stream.linear.gather [hbm4b:s14+s24], $0x80, $0x38;
	[tilespmem:$0x1CC00] =	vst v63  }
0x55: {  	_ =	swait.ge [sflag:s20], $0x80  }
0x56: {  	[sflag:s20] =	ssyncset.done $0x0  }
0x57: {  	s26 =	simm.s32 $0x180;
	[sflag:s20] =	ssyncadd.s32 $0xFFFFFF80  }
0x58: {  	[tilespmem:s26], [sflag:$0x6] =	stream.linear.gather [hbm4b:s15+s24], $0x80, $0x38;
	[tilespmem:$0x1CC00] =	vst v63  }
0x59: {  	_ =	swait.ge [sflag:s20], $0x80  }
0x5a: {  	[sflag:s20] =	ssyncset.done $0x0  }
0x5b: {  	s28 =	simm.s32 $0x380;
	[sflag:s20] =	ssyncadd.s32 $0xFFFFFF80  }
0x5c: {  	[tilespmem:s28], [sflag:$0x6] =	stream.linear.gather [hbm4b:s16+s24], $0x80, $0x38;
	[tilespmem:$0x1CC00] =	vst v63  }
0x5d: {  	_ =	swait.ge [sflag:s20], $0x80  }
0x5e: {  	[sflag:s20] =	ssyncset.done $0x0  }
0x5f: {  	[sflag:s20] =	ssyncadd.s32 $0xFFFFFF80  }
0x60: {  	[tilespmem:s29], [sflag:$0x1] =	stream.indirect.gather [hbm4b:s1+s22], $0x80, s24, s22, $0xb8;
	[tilespmem:$0x1CC00] =	vst v63  }
0x61: {  	s25 =	simm.s32 $0x600;
	s26 =	simm.s32 $0x0  }
0x62: {  	[tilespmem:s30], [sflag:$0x2] =	stream.indirect.gather [hbm4b:s1+s22], $0x80, s22, s22, $0xb8;
	[tilespmem:$0x1CC00] =	vst v63  }
.LBB2_6:
0x63: {  	p0 =	seq.s32 s24, $0x2700  }
.Ltmp4:
0x64: {  	_ = 	snop;
	(pc) =	sbr.rel @p0 .LBB2_10-.Ltmp4, $4  }
0x65: {  	_ =	swait.ge [sflag:s31], $0x4000  }
0x66: {  	s28 =	sand.u32 $0x100, s24;
	[sflag:s31] =	ssyncset.done $0x0  }
0x67: {  	s10 =	sor.u32 $0x200, s28;
	[sflag:s31] =	ssyncadd.s32 $0xFFFFC000  }
0x68: {  	[spmem:s2] =	stream.indirect.scatter.add.f32 [tilespmem:s29], [sflag:$0x3], $0x80, s10, s22, $0xb8;
	[tilespmem:$0x1CC00] =	vst v63  }
0x69: {  	p0 =	sgt.u32 s26, $0x25  }
0x6a: {  	s9 =	sadd.s32 @!p0 $0x200, s24  }
0x6b: {  	s11 =	sand.u32 @!p0 $0x7C00, s9  }
0x6c: {  	s9 =	sand.u32 @!p0 $0x300, s9;
	s11 =	sadd.s32 @!p0 s6, s11  }
0x6d: {  	_ =	swait.ge [sflag:s3], $0x4000;
	s9 =	sor.u32 @!p0 s9, s11  }
0x6e: {  	[sflag:s3] =	ssyncset.done $0x0;
	p1 =	seq.s32 @!p0 s24, $0x0;
	s11 =	sshrl.u32 @!p0 s9, $0x3  }
0x6f: {  	[sflag:s3] =	ssyncadd.s32 $0xFFFFC000;
	s9 =	simm.s32 @!p0 $0x0;
	s12 =	sadd.s32 @!p0 s5, s11  }
0x70: {  	[tilespmem:s28], [sflag:$0x5] =	stream.linear.gather @!p0 [hbm4b:s12+s9], $0x80, $0x38;
	[tilespmem:$0x1CC00] =	vst v63  }
0x71: {  	p1 =	por p0, !p1;
	s11 =	sadd.s32 @!p0 s7, s11  }
0x72: {  	[tilespmem:s10], [sflag:$0x5] =	stream.linear.gather @!p0 [hbm4b:s11+s9], $0x80, $0x38;
	[tilespmem:$0x1CC00] =	vst v63  }
0x73: {  	_ =	swait.ge @p1 [sflag:s23], $0x80  }
0x74: {  	[sflag:s23] =	ssyncset.done @p1 $0x0  }
0x75: {  	s12 =	sadd.s32 $0xFFFFFA00, s25;
	[sflag:s23] =	ssyncadd.s32 @p1 $0xFFFFFF80  }
0x76: {  	s10 =	sxor.u32 $0xFFFFFFFF, s12;
	_ =	swait.ge @p1 [sflag:s23], $0x80  }
0x77: {  	s10 =	sand.u32 $0x400, s10;
	[sflag:s23] =	ssyncset.done @p1 $0x0  }
0x78: {  	s10 =	sshrl.u32 s10, $0x2;
	[sflag:s23] =	ssyncadd.s32 @p1 $0xFFFFFF80  }
0x79: {  	[tilespmem:s29], [sflag:$0x1] =	stream.indirect.gather [hbm4b:s1+s22], $0x80, s10, s22, $0xb8;
	[tilespmem:$0x1CC00] =	vst v63  }
0x7a: {  	s11 =	sadd.s32 @!p0 $0x280, s24;
	_ =	swait.ge [sflag:s0], $0x4000  }
0x7b: {  	s12 =	sand.u32 @!p0 $0x7C00, s11;
	s11 =	sand.u32 @!p0 $0x380, s11;
	[sflag:s0] =	ssyncset.done $0x0  }
0x7c: {  	s12 =	sadd.s32 @!p0 s6, s12;
	s10 =	sor.u32 $0x280, s28;
	[sflag:s0] =	ssyncadd.s32 $0xFFFFC000  }
0x7d: {  	[spmem:s2] =	stream.indirect.scatter.add.f32 [tilespmem:s30], [sflag:$0x4], $0x80, s10, s22, $0xb8;
	[tilespmem:$0x1CC00] =	vst v63  }
0x7e: {  	s11 =	sor.u32 @!p0 s11, s12;
	_ =	swait.ge [sflag:s21], $0x4000  }
0x7f: {  	s11 =	sshrl.u32 @!p0 s11, $0x3;
	[sflag:s21] =	ssyncset.done $0x0  }
0x80: {  	s12 =	sor.u32 $0x80, s28;
	s28 =	sadd.s32 @!p0 s5, s11;
	[sflag:s21] =	ssyncadd.s32 $0xFFFFC000  }
0x81: {  	[tilespmem:s12], [sflag:$0x5] =	stream.linear.gather @!p0 [hbm4b:s28+s9], $0x80, $0x38;
	[tilespmem:$0x1CC00] =	vst v63  }
0x82: {  	s11 =	sadd.s32 @!p0 s7, s11  }
0x83: {  	[tilespmem:s10], [sflag:$0x5] =	stream.linear.gather @!p0 [hbm4b:s11+s9], $0x80, $0x38;
	[tilespmem:$0x1CC00] =	vst v63  }
0x84: {  	s24 =	sadd.s32 $0x100, s24;
	_ =	swait.ge @p1 [sflag:s23], $0x80  }
0x85: {  	p0 =	sne.s32 s24, $0x2800;
	[sflag:s23] =	ssyncset.done @p1 $0x0  }
.Ltmp5:
0x86: {  	[sflag:s23] =	ssyncadd.s32 @p1 $0xFFFFFF80;
	(pc) =	sbr.rel @p0 .LBB2_6-.Ltmp5, $4  }
.Ltmp6:
0x87: {  	_ =	swait.ge @p1 [sflag:s23], $0x80;
	(pc) =	sbr.rel @!p0 .LBB2_8-.Ltmp6, $4  }
0x88: {  	s26 =	sadd.s32 $0x1, s26;
	s28 =	sand.u32 $0x600, s25;
	[sflag:s23] =	ssyncset.done @p1 $0x0  }
0x89: {  	s25 =	sadd.s32 $0x400, s25;
	s9 =	sshrl.u32 s28, $0x2;
	[sflag:s23] =	ssyncadd.s32 @p1 $0xFFFFFF80  }
0x8a: {  	[tilespmem:s30], [sflag:$0x2] =	stream.indirect.gather [hbm4b:s1+s22], $0x80, s9, s22, $0xb8;
	[tilespmem:$0x1CC00] =	vst v63  }
0x8b: {  	_ = 	snop  }
.LBB2_9:
0x8c: {  	_ =	sfence.sel $0x180000  }
0x8d: {  	[bflag:$0x0] =	sbarrier.arrive $0xFFFF  }
0x8e: {  	_ =	strace $0x9000004A  }
0x8f: {  	s0 =	stileid.u32;
	[bflag:$0x2] =	sbarrier.arrive $0xFFFF  }
0x90: {  	p0 =	sne.s32 s0, $0x0;
	s0 =	rddreg [dreg:$0x3]  }
0x91: {  	s0 =	sadd.s32 @!p0 $0x100000, s0  }
0x92: {  	[sflag:s0] =	ssyncadd.tile.s32 @!p0 $0x1;
	_ =	shalt  }
.Lfunc_end2:
_tile_overlayer_lowered:
.L_overlay_start_2:
0x93: {  	(tag) =	ssettag $0x2  }
0x94: {  	s0 =	rddreg [dreg:$0x0];
	s2 =	stileid.u32  }
0x95: {  	s1 =	rddreg [dreg:$0x1];
	p0 =	sne.s32 s2, $0x0  }
0x96: {  	s3 =	rddreg [dreg:$0x2];
	[bflag:$0x3] =	sbarrier.arrive $0xFFFF;
	s2 =	simm.s32 @!p0 $0x1C06  }
0x97: {  	[timem:s3], [sflag:s2] =	dma.local @!p0 [hbm:s0], s1  }
0x98: {  	s0 =	simm.s32 @!p0 $0x6  }
0x99: {  	_ =	swait.ge @!p0 [sflag:s0], s1  }
0x9a: {  	s1 =	ssub.s32 @!p0 $0x0, s1;
	[sflag:s0] =	ssyncset.done @!p0 $0x0  }
0x9b: {  	[sflag:s0] =	ssyncadd.s32 @!p0 s1  }
0x9c: {  	[bflag:$0x3] =	sbarrier.arrive $0xFFFF  }
0x9d: {  	_ =	shalt  }

</sc_bundles>
